<compile_context>
chip_gen: v7x
topology: tpu7x:2x2x1
jax: 0.10.2.dev20260603
libtpu: 0.0.44.dev20260713+nightly
codegen_flags: <defaults>
</compile_context>

<pallas_src>
import functools
import jax
import jax.numpy as jnp
from jax import lax
from jax.experimental import pallas as pl
from jax.experimental.pallas import tpu as pltpu
from jax.experimental.pallas import tpu_sc as plsc

N = 10000
E = 320000
D = 128
BN_EPS = 1e-5

NC = 2
NS = 16
NW = NC * NS
EDGES_PER_W = E // NW
CHUNK = 80
N_STEPS = EDGES_PER_W // CHUNK
RCHUNK = 80
N_RCHUNKS = N // RCHUNK


def _hlin_body(h_ref, w_ref, b_ref, o_ref):
    o_ref[:, :] = (
        jnp.dot(h_ref[:, :], w_ref[:, :], preferred_element_type=jnp.float32)
        + b_ref[:, :]
    )


def _u_body(wm1_ref, wm2t_ref, u_ref):
    wm1 = wm1_ref[:, :]
    c = jnp.where(wm1 >= 0, wm1, 0.2 * wm1)
    u_ref[:, :] = jnp.dot(c, wm2t_ref[:, :], preferred_element_type=jnp.float32)


def _s_body(ew_ref, us_ref, u_ref, uli_ref):
    ew = ew_ref[:, :]
    lane = jax.lax.broadcasted_iota(jnp.int32, (1, D), 1)

    ewb16 = ew.astype(jnp.bfloat16)

    def jstep(j, acc):
        s = jnp.sum(jnp.exp(ewb16 * us_ref[0, j].astype(jnp.bfloat16)).astype(jnp.float32))
        return acc + jnp.where(lane == j, s, 0.0)

    s_row = lax.fori_loop(0, D, jstep, jnp.zeros((1, D), jnp.float32))
    uli_ref[pl.ds(0, 1), :] = u_ref[:, :]
    uli_ref[pl.ds(1, 1), :] = -jnp.log(s_row)


def _sc_body(hlin_hbm, ew_hbm, uli_hbm, eidx_hbm, zeros_hbm, out_hbm,
             acc_shared, uli_v, i0, i1, rows0, rows1, w0, w1, dstrow0, dstrow1,
             isem0, isem1, gsem0, gsem1, wsem0, wsem1, dsem0, dsem1,
             ssem0, ssem1):
    cid = lax.axis_index("c")
    sid = lax.axis_index("s")
    wid = cid * NS + sid
    ebase = wid * EDGES_PER_W

    def zinit(t, carry):
        rc = sid + t * NS

        @pl.when(rc < N_RCHUNKS)
        def _():
            pltpu.sync_copy(zeros_hbm, acc_shared.at[pl.ds(rc * RCHUNK, RCHUNK), :])

        return carry

    lax.fori_loop(0, (N_RCHUNKS + NS - 1) // NS, zinit, 0)

    pltpu.sync_copy(uli_hbm, uli_v)
    plsc.subcore_barrier()

    def issue_idx(t, i_b, isem_b):
        @pl.when(t < N_STEPS)
        def _():
            pltpu.async_copy(eidx_hbm.at[pl.ds(ebase + t * CHUNK, CHUNK)], i_b, isem_b)

    def wait_idx(t, i_b, isem_b):
        pltpu.make_async_copy(
            eidx_hbm.at[pl.ds(ebase + t * CHUNK, CHUNK)], i_b, isem_b).wait()

    def issue_main(t, i_b, rows_b, w_b, d_b, gsem_b, wsem_b, dsem_b):
        pltpu.async_copy(hlin_hbm.at[i_b], rows_b, gsem_b)
        pltpu.async_copy(ew_hbm.at[pl.ds(ebase + t * CHUNK, CHUNK)], w_b, wsem_b)
        pltpu.async_copy(eidx_hbm.at[pl.ds(E + ebase + t * CHUNK, CHUNK)], d_b, dsem_b)

    def wait_main(t, i_b, rows_b, w_b, d_b, gsem_b, wsem_b, dsem_b):
        pltpu.make_async_copy(hlin_hbm.at[i_b], rows_b, gsem_b).wait()
        pltpu.make_async_copy(
            ew_hbm.at[pl.ds(ebase + t * CHUNK, CHUNK)], w_b, wsem_b).wait()
        pltpu.make_async_copy(
            eidx_hbm.at[pl.ds(E + ebase + t * CHUNK, CHUNK)], d_b, dsem_b).wait()

    def compute(rows_b, w_b, d_b):
        us = [uli_v[0, pl.ds(j * 16, 16)] for j in range(D // 16)]
        lis = [uli_v[1, pl.ds(j * 16, 16)] for j in range(D // 16)]

        @functools.partial(plsc.parallel_loop, 0, CHUNK // 16)
        def _grp(g):
            ewv = w_b[pl.ds(g * 16, 16)]
            for l in range(16):
                ewb = jnp.take(ewv, jnp.full((16,), l, jnp.int32),
                               mode="promise_in_bounds")
                e = g * 16 + l
                for j in range(D // 16):
                    p = jnp.exp(ewb * us[j] + lis[j])
                    rows_b[e, pl.ds(j * 16, 16)] = (
                        rows_b[e, pl.ds(j * 16, 16)] * (1.0 + p)
                    )

    def issue_scatter(rows_b, d_b, ssem_b):
        pltpu.async_copy(rows_b, acc_shared.at[d_b], ssem_b, add=True)

    def wait_scatter(rows_b, d_b, ssem_b):
        pltpu.make_async_copy(rows_b, acc_shared.at[d_b], ssem_b).wait()

    bufs0 = (i0, rows0, w0, dstrow0, gsem0, wsem0, dsem0)
    bufs1 = (i1, rows1, w1, dstrow1, gsem1, wsem1, dsem1)

    issue_idx(0, i0, isem0)
    issue_idx(1, i1, isem1)
    wait_idx(0, i0, isem0)
    issue_main(0, *bufs0)

    def step(t, a, b, isem_a, isem_b, ssem_a, ssem_b):
        wait_main(t, *a)
        wait_idx(t + 1, b[0], isem_b)

        @pl.when(t > 0)
        def _():
            wait_scatter(b[1], b[3], ssem_b)

        issue_main(t + 1, *b)
        issue_idx(t + 2, a[0], isem_a)
        compute(a[1], a[2], a[3])
        issue_scatter(a[1], a[3], ssem_a)

    def pair(p, carry):
        ta = 2 * p
        step(ta, bufs0, bufs1, isem0, isem1, ssem0, ssem1)
        step(ta + 1, bufs1, bufs0, isem1, isem0, ssem1, ssem0)
        return carry

    lax.fori_loop(0, (N_STEPS - 1) // 2, pair, 0)
    wait_main(N_STEPS - 1, *bufs0)
    wait_scatter(rows1, dstrow1, ssem1)
    compute(rows0, w0, dstrow0)
    issue_scatter(rows0, dstrow0, ssem0)
    wait_scatter(rows0, dstrow0, ssem0)
    plsc.subcore_barrier()

    def wback(t, carry):
        rc = sid + t * NS

        @pl.when(rc < N_RCHUNKS)
        def _():
            pltpu.sync_copy(
                acc_shared.at[pl.ds(rc * RCHUNK, RCHUNK), :],
                out_hbm.at[cid, pl.ds(rc * RCHUNK, RCHUNK), :],
            )

        return carry

    lax.fori_loop(0, (N_RCHUNKS + NS - 1) // NS, wback, 0)


def _final_body(hlin_ref, part_ref, wa1t_ref, ba1_ref, wa2t_ref, ba2_ref,
                g_ref, b_ref, o_ref):
    x = hlin_ref[:, :] + part_ref[0] + part_ref[1]
    z = jnp.maximum(
        jnp.dot(x, wa1t_ref[:, :], preferred_element_type=jnp.float32) + ba1_ref[:, :],
        0.0,
    )
    z = jnp.dot(z, wa2t_ref[:, :], preferred_element_type=jnp.float32) + ba2_ref[:, :]
    mu = jnp.mean(z, axis=0, keepdims=True)
    var = jnp.mean((z - mu) * (z - mu), axis=0, keepdims=True)
    out = (z - mu) / jnp.sqrt(var + BN_EPS) * g_ref[:, :] + b_ref[:, :]
    o_ref[:, :] = jnp.maximum(out, 0.0)


@jax.jit
def kernel(h, edge_index, edge_weight, W_lin, b_lin, W_m1, W_m2, b_m2,
           W_a1, b_a1, W_a2, b_a2, bn_gamma, bn_beta):
    f32 = jnp.float32

    h_lin = pl.pallas_call(
        _hlin_body,
        out_shape=jax.ShapeDtypeStruct((N, D), f32),
    )(h, W_lin.T, b_lin.reshape(1, D))

    u = pl.pallas_call(
        _u_body,
        out_shape=jax.ShapeDtypeStruct((1, D), f32),
    )(W_m1.reshape(1, D), W_m2.T)

    ewflat = edge_weight.reshape(E)
    ew2d = ewflat.reshape(E // D, D)
    uli = pl.pallas_call(
        _s_body,
        in_specs=[
            pl.BlockSpec((E // D, D), lambda: (0, 0)),
            pl.BlockSpec(memory_space=pltpu.SMEM),
            pl.BlockSpec((1, D), lambda: (0, 0)),
        ],
        out_specs=pl.BlockSpec((2, D), lambda: (0, 0)),
        out_shape=jax.ShapeDtypeStruct((2, D), f32),
    )(ew2d, u, u)

    zeros = jnp.zeros((RCHUNK, D), f32)
    mesh = plsc.VectorSubcoreMesh(core_axis_name="c", subcore_axis_name="s")
    parts = pl.kernel(
        _sc_body,
        out_type=jax.ShapeDtypeStruct((NC, N, D), f32),
        mesh=mesh,
        scratch_types=(
            [pltpu.VMEM_SHARED((N, D), f32)]
            + [pltpu.VMEM((2, D), f32)]
            + [pltpu.VMEM((CHUNK,), jnp.int32)] * 2
            + [pltpu.VMEM((CHUNK, D), f32)] * 2
            + [pltpu.VMEM((CHUNK,), f32)] * 2
            + [pltpu.VMEM((CHUNK,), jnp.int32)] * 2
            + [pltpu.SemaphoreType.DMA] * 10
        ),
    )(h_lin, ewflat, uli, edge_index.reshape(2 * E), zeros)

    out = pl.pallas_call(
        _final_body,
        out_shape=jax.ShapeDtypeStruct((N, D), f32),
    )(h_lin, parts, W_a1.T, b_a1.reshape(1, D), W_a2.T, b_a2.reshape(1, D),
      bn_gamma.reshape(1, D), bn_beta.reshape(1, D))
    return out

# --- scband reference (transcript-rebuilt; emitter-appended) ---
"""Pipeline reference for scband-union-snnlayer-77214922047676 (READ-ONLY COPY).

The authoritative reference and input builder live on the scoring server;
editing this copy changes nothing except your own understanding.
"""

import jax, jax.numpy as jnp
import numpy as np

N = 10000
E = 320000
D_IN = 128
D_OUT = 128
GIN_EPS = 0.0  # init_eps, learn_eps=False
BN_EPS = 1e-5

def leaky_relu(x, slope=0.2):
    return jnp.where(x >= 0, x, slope * x)

def setup_inputs(seed: int = 0) -> dict:
    key = jax.random.key(seed)
    ks = jax.random.split(key, 16)
    h = jax.random.normal(ks[0], (N, D_IN), dtype=jnp.float32)
    edge_index = jax.random.randint(ks[1], (2, E), 0, N, dtype=jnp.int32)
    edge_weight = jax.random.uniform(ks[2], (E, 1), dtype=jnp.float32)
    s_in = 1.0 / np.sqrt(D_IN)
    s_out = 1.0 / np.sqrt(D_OUT)
    # self.lin: Linear(in_dim, out_dim)
    W_lin = jax.random.uniform(ks[3], (D_OUT, D_IN), jnp.float32, -s_in, s_in)
    b_lin = jax.random.uniform(ks[4], (D_OUT,), jnp.float32, -s_in, s_in)
    # w_mlp_out: Linear(1, out_dim, bias=False) -> LeakyReLU(0.2) -> Linear(out_dim, out_dim, bias=True)
    W_m1 = jax.random.uniform(ks[5], (D_OUT, 1), jnp.float32, -1.0, 1.0)
    W_m2 = jax.random.uniform(ks[6], (D_OUT, D_OUT), jnp.float32, -s_out, s_out)
    b_m2 = jax.random.uniform(ks[7], (D_OUT,), jnp.float32, -s_out, s_out)
    # apply_func: GIN-style 2-layer MLP (Linear -> ReLU -> Linear), in=out=D_OUT
    W_a1 = jax.random.uniform(ks[8], (D_OUT, D_OUT), jnp.float32, -s_out, s_out)
    b_a1 = jax.random.uniform(ks[9], (D_OUT,), jnp.float32, -s_out, s_out)
    W_a2 = jax.random.uniform(ks[10], (D_OUT, D_OUT), jnp.float32, -s_out, s_out)
    b_a2 = jax.random.uniform(ks[11], (D_OUT,), jnp.float32, -s_out, s_out)
    # batch norm affine params
    bn_gamma = jnp.ones((D_OUT,), dtype=jnp.float32)
    bn_beta = jnp.zeros((D_OUT,), dtype=jnp.float32)
    return {"h": h, "edge_index": edge_index, "edge_weight": edge_weight,
            "W_lin": W_lin, "b_lin": b_lin, "W_m1": W_m1, "W_m2": W_m2, "b_m2": b_m2,
            "W_a1": W_a1, "b_a1": b_a1, "W_a2": W_a2, "b_a2": b_a2,
            "bn_gamma": bn_gamma, "bn_beta": bn_beta}

def reference(h, edge_index, edge_weight, W_lin, b_lin, W_m1, W_m2, b_m2,
              W_a1, b_a1, W_a2, b_a2, bn_gamma, bn_beta):
    # h = self.lin(h)
    h_lin = h @ W_lin.T + b_lin
    # out_weight = self.w_mlp_out(g.edata['weight'])
    ow = leaky_relu(edge_weight @ W_m1.T) @ W_m2.T + b_m2  # [E, D_OUT]
    # g.edata['w'] = 1 + softmax over edge dim (dim=0)
    w = 1.0 + jax.nn.softmax(ow, axis=0)
    # update_all: u_mul_e('h','w','m') then sum reduce onto dst
    src = edge_index[0]
    dst = edge_index[1]
    m = jnp.take(h_lin, src, axis=0) * w  # gather + edge-wise mul
    neigh = jax.ops.segment_sum(m, dst, num_segments=N)  # scatter-add
    out = (1.0 + GIN_EPS) * h_lin + neigh
    # apply_func (GIN MLP)
    out = jax.nn.relu(out @ W_a1.T + b_a1) @ W_a2.T + b_a2
    # batch norm (training-mode batch stats, biased var)
    mu = jnp.mean(out, axis=0)
    var = jnp.var(out, axis=0)
    out = (out - mu) / jnp.sqrt(var + BN_EPS) * bn_gamma + bn_beta
    # relu; residual=False; dropout p=0.0 -> identity
    out = jax.nn.relu(out)
    return out

if __name__ == "__main__":
    import jax
    _d = setup_inputs()
    print(jax.jit(kernel)(*tuple(_d.values())))

</pallas_src>

<mosaic_0001>
#map = affine_map<(d0, d1) -> (0, 0)>
#map1 = affine_map<(d0, d1) -> (0)>
#map2 = affine_map<(d0, d1) -> (0, 0, 0)>
module attributes {stable_mosaic.version = 14 : i64} {
  func.func @_sc_body(%arg0: i32, %arg1: i32, %arg2: memref<10000x128xf32, #tpu.memory_space<hbm>>, %arg3: memref<320000xf32, #tpu.memory_space<hbm>>, %arg4: memref<2x128xf32, #tpu.memory_space<hbm>>, %arg5: memref<640000xi32, #tpu.memory_space<hbm>>, %arg6: memref<80x128xf32, #tpu.memory_space<hbm>>, %arg7: memref<2x10000x128xf32, #tpu.memory_space<hbm>>, %arg8: memref<10000x128xf32, #tpu.memory_space<vmem_shared>>, %arg9: memref<2x128xf32, #tpu.memory_space<vmem>>, %arg10: memref<80xi32, #tpu.memory_space<vmem>>, %arg11: memref<80xi32, #tpu.memory_space<vmem>>, %arg12: memref<80x128xf32, #tpu.memory_space<vmem>>, %arg13: memref<80x128xf32, #tpu.memory_space<vmem>>, %arg14: memref<80xf32, #tpu.memory_space<vmem>>, %arg15: memref<80xf32, #tpu.memory_space<vmem>>, %arg16: memref<80xi32, #tpu.memory_space<vmem>>, %arg17: memref<80xi32, #tpu.memory_space<vmem>>, %arg18: memref<!tpu.dma_semaphore, #tpu.memory_space<semaphore_mem>>, %arg19: memref<!tpu.dma_semaphore, #tpu.memory_space<semaphore_mem>>, %arg20: memref<!tpu.dma_semaphore, #tpu.memory_space<semaphore_mem>>, %arg21: memref<!tpu.dma_semaphore, #tpu.memory_space<semaphore_mem>>, %arg22: memref<!tpu.dma_semaphore, #tpu.memory_space<semaphore_mem>>, %arg23: memref<!tpu.dma_semaphore, #tpu.memory_space<semaphore_mem>>, %arg24: memref<!tpu.dma_semaphore, #tpu.memory_space<semaphore_mem>>, %arg25: memref<!tpu.dma_semaphore, #tpu.memory_space<semaphore_mem>>, %arg26: memref<!tpu.dma_semaphore, #tpu.memory_space<semaphore_mem>>, %arg27: memref<!tpu.dma_semaphore, #tpu.memory_space<semaphore_mem>>) attributes {dimension_semantics = [#tpu.dimension_semantics<core_parallel>, #tpu.dimension_semantics<subcore_parallel>], iteration_bounds = array<i64: 2, 16>, scalar_prefetch = 0 : i64, scratch_operands = 20 : i64, tpu.core_type = #tpu.core_type<sc_vector_subcore>, window_params = [{transform_indices = #map}, {transform_indices = #map1}, {transform_indices = #map}, {transform_indices = #map1}, {transform_indices = #map}, {transform_indices = #map2}]} {
    %mul3A = arith.constant 16 : i32
    %mul3A_0 = arith.muli %arg0, %mul3A : i32
    %add3A = arith.addi %mul3A_0, %arg1 : i32
    %mul3A_1 = arith.constant 10000 : i32
    %mul3A_2 = arith.muli %add3A, %mul3A_1 : i32
    %scan3A = arith.constant 0 : i32
    %scan3A_3 = arith.constant 0 : i32
    %scan3A_4 = arith.constant 8 : i32
    %scan3A_5 = arith.addi %scan3A_3, %scan3A_4 : i32
    %scan3A_6 = arith.constant 1 : i32
    scf.for %scan3A_145 = %scan3A_3 to %scan3A_5 step %scan3A_6  : i32 {
      %mul3A_146 = arith.constant 16 : i32
      %mul3A_147 = arith.muli %scan3A_145, %mul3A_146 : i32
      %add3A_148 = arith.addi %arg1, %mul3A_147 : i32
      %lt3A = arith.constant 125 : i32
      %lt3A_149 = arith.cmpi slt, %add3A_148, %lt3A : i32
      %convert_element_type3A = arith.extui %lt3A_149 : i1 to i32
      %cond3A = arith.constant 0 : i32
      %cond3A_150 = arith.cmpi ne, %convert_element_type3A, %cond3A : i32
      scf.if %cond3A_150 {
        %mul3A_151 = arith.constant 80 : i32
        %mul3A_152 = arith.muli %add3A_148, %mul3A_151 : i32
        "tpu.region"() ({
          %run_scoped3A = tpu.sem_alloc : memref<!tpu.dma_semaphore, #tpu.memory_space<semaphore_mem>>
          %dma_start3A_153 = arith.constant 0 : i32
          %dma_start3A_154 = tpu.memref_slice %arg8[%mul3A_152, %dma_start3A_153] : memref<10000x128xf32, #tpu.memory_space<vmem_shared>> -> memref<80x128xf32, #tpu.memory_space<vmem_shared>>
          tpu.enqueue_dma source(%arg6 : memref<80x128xf32, #tpu.memory_space<hbm>>) target(%dma_start3A_154 : memref<80x128xf32, #tpu.memory_space<vmem_shared>>) target_semaphore(%run_scoped3A : memref<!tpu.dma_semaphore, #tpu.memory_space<semaphore_mem>>)
          %dma_wait3A_155 = arith.constant 0 : i32
          %dma_wait3A_156 = tpu.memref_slice %arg8[%mul3A_152, %dma_wait3A_155] : memref<10000x128xf32, #tpu.memory_space<vmem_shared>> -> memref<80x128xf32, #tpu.memory_space<vmem_shared>>
          tpu.wait_dma2 semaphore(%run_scoped3A : memref<!tpu.dma_semaphore, #tpu.memory_space<semaphore_mem>>) src(%arg6 : memref<80x128xf32, #tpu.memory_space<hbm>>) dst(%dma_wait3A_156 : memref<80x128xf32, #tpu.memory_space<vmem_shared>>)
          tpu.yield
        }) : () -> ()
      } else {
      }
    }
    %scan3A_7 = arith.constant 8 : i32
    "tpu.region"() ({
      %run_scoped3A = tpu.sem_alloc : memref<!tpu.dma_semaphore, #tpu.memory_space<semaphore_mem>>
      tpu.enqueue_dma source(%arg4 : memref<2x128xf32, #tpu.memory_space<hbm>>) target(%arg9 : memref<2x128xf32, #tpu.memory_space<vmem>>) target_semaphore(%run_scoped3A : memref<!tpu.dma_semaphore, #tpu.memory_space<semaphore_mem>>)
      tpu.wait_dma2 semaphore(%run_scoped3A : memref<!tpu.dma_semaphore, #tpu.memory_space<semaphore_mem>>) src(%arg4 : memref<2x128xf32, #tpu.memory_space<hbm>>) dst(%arg9 : memref<2x128xf32, #tpu.memory_space<vmem>>)
      tpu.yield
    }) : () -> ()
    %barrier3A = arith.constant 0 : index
    tpu.barrier barrier_id(%barrier3A)
    %add3A_8 = arith.constant 0 : i32
    %add3A_9 = arith.addi %mul3A_2, %add3A_8 : i32
    %dma_start3A = tpu.memref_slice %arg5[%add3A_9] : memref<640000xi32, #tpu.memory_space<hbm>> -> memref<80xi32, #tpu.memory_space<hbm>>
    %dma_start3A_10 = tpu.memref_slice %arg5[%add3A_9] : memref<640000xi32, #tpu.memory_space<hbm>> -> memref<80xi32, #tpu.memory_space<hbm>>
    tpu.enqueue_dma source(%dma_start3A_10 : memref<80xi32, #tpu.memory_space<hbm>>) target(%arg10 : memref<80xi32, #tpu.memory_space<vmem>>) target_semaphore(%arg18 : memref<!tpu.dma_semaphore, #tpu.memory_space<semaphore_mem>>)
    %add3A_11 = arith.constant 80 : i32
    %add3A_12 = arith.addi %mul3A_2, %add3A_11 : i32
    %dma_start3A_13 = tpu.memref_slice %arg5[%add3A_12] : memref<640000xi32, #tpu.memory_space<hbm>> -> memref<80xi32, #tpu.memory_space<hbm>>
    %dma_start3A_14 = tpu.memref_slice %arg5[%add3A_12] : memref<640000xi32, #tpu.memory_space<hbm>> -> memref<80xi32, #tpu.memory_space<hbm>>
    tpu.enqueue_dma source(%dma_start3A_14 : memref<80xi32, #tpu.memory_space<hbm>>) target(%arg11 : memref<80xi32, #tpu.memory_space<vmem>>) target_semaphore(%arg19 : memref<!tpu.dma_semaphore, #tpu.memory_space<semaphore_mem>>)
    %add3A_15 = arith.constant 0 : i32
    %add3A_16 = arith.addi %mul3A_2, %add3A_15 : i32
    %dma_wait3A = tpu.memref_slice %arg5[%add3A_16] : memref<640000xi32, #tpu.memory_space<hbm>> -> memref<80xi32, #tpu.memory_space<hbm>>
    %dma_wait3A_17 = tpu.memref_slice %arg5[%add3A_16] : memref<640000xi32, #tpu.memory_space<hbm>> -> memref<80xi32, #tpu.memory_space<hbm>>
    tpu.wait_dma2 semaphore(%arg18 : memref<!tpu.dma_semaphore, #tpu.memory_space<semaphore_mem>>) src(%dma_wait3A_17 : memref<80xi32, #tpu.memory_space<hbm>>) dst(%arg10 : memref<80xi32, #tpu.memory_space<vmem>>)
    %dma_start3A_18 = arith.constant 0 : i32
    %dma_start3A_19 = arith.constant 0 : i32
    %dma_start3A_20 = tpu.memref_slice %arg2[%dma_start3A_18, %dma_start3A_19] : memref<10000x128xf32, #tpu.memory_space<hbm>> -> memref<10000x128xf32, #tpu.memory_space<hbm>>
    tpu.enqueue_indirect_dma source(%dma_start3A_20 : memref<10000x128xf32, #tpu.memory_space<hbm>>) target(%arg12 : memref<80x128xf32, #tpu.memory_space<vmem>>) offsets(%arg10 : memref<80xi32, #tpu.memory_space<vmem>>) semaphore(%arg20 : memref<!tpu.dma_semaphore, #tpu.memory_space<semaphore_mem>>)
    %add3A_21 = arith.constant 0 : i32
    %add3A_22 = arith.addi %mul3A_2, %add3A_21 : i32
    %dma_start3A_23 = tpu.memref_slice %arg3[%add3A_22] : memref<320000xf32, #tpu.memory_space<hbm>> -> memref<80xf32, #tpu.memory_space<hbm>>
    %dma_start3A_24 = tpu.memref_slice %arg3[%add3A_22] : memref<320000xf32, #tpu.memory_space<hbm>> -> memref<80xf32, #tpu.memory_space<hbm>>
    tpu.enqueue_dma source(%dma_start3A_24 : memref<80xf32, #tpu.memory_space<hbm>>) target(%arg14 : memref<80xf32, #tpu.memory_space<vmem>>) target_semaphore(%arg22 : memref<!tpu.dma_semaphore, #tpu.memory_space<semaphore_mem>>)
    %add3A_25 = arith.constant 320000 : i32
    %add3A_26 = arith.addi %add3A_25, %mul3A_2 : i32
    %add3A_27 = arith.constant 0 : i32
    %add3A_28 = arith.addi %add3A_26, %add3A_27 : i32
    %dma_start3A_29 = tpu.memref_slice %arg5[%add3A_28] : memref<640000xi32, #tpu.memory_space<hbm>> -> memref<80xi32, #tpu.memory_space<hbm>>
    %dma_start3A_30 = tpu.memref_slice %arg5[%add3A_28] : memref<640000xi32, #tpu.memory_space<hbm>> -> memref<80xi32, #tpu.memory_space<hbm>>
    tpu.enqueue_dma source(%dma_start3A_30 : memref<80xi32, #tpu.memory_space<hbm>>) target(%arg16 : memref<80xi32, #tpu.memory_space<vmem>>) target_semaphore(%arg24 : memref<!tpu.dma_semaphore, #tpu.memory_space<semaphore_mem>>)
    %scan3A_31 = arith.constant 0 : i32
    %scan3A_32 = arith.constant 0 : i32
    %scan3A_33 = arith.constant 62 : i32
    %scan3A_34 = arith.addi %scan3A_32, %scan3A_33 : i32
    %scan3A_35 = arith.constant 1 : i32
    scf.for %scan3A_145 = %scan3A_32 to %scan3A_34 step %scan3A_35  : i32 {
      %mul3A_146 = arith.constant 2 : i32
      %mul3A_147 = arith.muli %mul3A_146, %scan3A_145 : i32
      %dma_wait3A_148 = arith.constant 0 : i32
      %dma_wait3A_149 = arith.constant 0 : i32
      %dma_wait3A_150 = tpu.memref_slice %arg2[%dma_wait3A_148, %dma_wait3A_149] : memref<10000x128xf32, #tpu.memory_space<hbm>> -> memref<10000x128xf32, #tpu.memory_space<hbm>>
      tpu.wait_indirect_dma semaphore(%arg20 : memref<!tpu.dma_semaphore, #tpu.memory_space<semaphore_mem>>) src(%dma_wait3A_150 : memref<10000x128xf32, #tpu.memory_space<hbm>>) dst(%arg12 : memref<80x128xf32, #tpu.memory_space<vmem>>)
      %mul3A_151 = arith.constant 80 : i32
      %mul3A_152 = arith.muli %mul3A_147, %mul3A_151 : i32
      %add3A_153 = arith.addi %mul3A_2, %mul3A_152 : i32
      %dma_wait3A_154 = tpu.memref_slice %arg3[%add3A_153] : memref<320000xf32, #tpu.memory_space<hbm>> -> memref<80xf32, #tpu.memory_space<hbm>>
      %dma_wait3A_155 = tpu.memref_slice %arg3[%add3A_153] : memref<320000xf32, #tpu.memory_space<hbm>> -> memref<80xf32, #tpu.memory_space<hbm>>
      tpu.wait_dma2 semaphore(%arg22 : memref<!tpu.dma_semaphore, #tpu.memory_space<semaphore_mem>>) src(%dma_wait3A_155 : memref<80xf32, #tpu.memory_space<hbm>>) dst(%arg14 : memref<80xf32, #tpu.memory_space<vmem>>)
      %add3A_156 = arith.constant 320000 : i32
      %add3A_157 = arith.addi %add3A_156, %mul3A_2 : i32
      %mul3A_158 = arith.constant 80 : i32
      %mul3A_159 = arith.muli %mul3A_147, %mul3A_158 : i32
      %add3A_160 = arith.addi %add3A_157, %mul3A_159 : i32
      %dma_wait3A_161 = tpu.memref_slice %arg5[%add3A_160] : memref<640000xi32, #tpu.memory_space<hbm>> -> memref<80xi32, #tpu.memory_space<hbm>>
      %dma_wait3A_162 = tpu.memref_slice %arg5[%add3A_160] : memref<640000xi32, #tpu.memory_space<hbm>> -> memref<80xi32, #tpu.memory_space<hbm>>
      tpu.wait_dma2 semaphore(%arg24 : memref<!tpu.dma_semaphore, #tpu.memory_space<semaphore_mem>>) src(%dma_wait3A_162 : memref<80xi32, #tpu.memory_space<hbm>>) dst(%arg16 : memref<80xi32, #tpu.memory_space<vmem>>)
      %add3A_163 = arith.constant 1 : i32
      %add3A_164 = arith.addi %mul3A_147, %add3A_163 : i32
      %mul3A_165 = arith.constant 80 : i32
      %mul3A_166 = arith.muli %add3A_164, %mul3A_165 : i32
      %add3A_167 = arith.addi %mul3A_2, %mul3A_166 : i32
      %dma_wait3A_168 = tpu.memref_slice %arg5[%add3A_167] : memref<640000xi32, #tpu.memory_space<hbm>> -> memref<80xi32, #tpu.memory_space<hbm>>
      %dma_wait3A_169 = tpu.memref_slice %arg5[%add3A_167] : memref<640000xi32, #tpu.memory_space<hbm>> -> memref<80xi32, #tpu.memory_space<hbm>>
      tpu.wait_dma2 semaphore(%arg19 : memref<!tpu.dma_semaphore, #tpu.memory_space<semaphore_mem>>) src(%dma_wait3A_169 : memref<80xi32, #tpu.memory_space<hbm>>) dst(%arg11 : memref<80xi32, #tpu.memory_space<vmem>>)
      %gt3A = arith.constant 0 : i32
      %gt3A_170 = arith.cmpi sgt, %mul3A_147, %gt3A : i32
      %convert_element_type3A = arith.extui %gt3A_170 : i1 to i32
      %cond3A = arith.constant 0 : i32
      %cond3A_171 = arith.cmpi ne, %convert_element_type3A, %cond3A : i32
      scf.if %cond3A_171 {
        %dma_wait3A_414 = arith.constant 0 : i32
        %dma_wait3A_415 = arith.constant 0 : i32
        %dma_wait3A_416 = tpu.memref_slice %arg8[%dma_wait3A_414, %dma_wait3A_415] : memref<10000x128xf32, #tpu.memory_space<vmem_shared>> -> memref<10000x128xf32, #tpu.memory_space<vmem_shared>>
        tpu.wait_indirect_dma semaphore(%arg27 : memref<!tpu.dma_semaphore, #tpu.memory_space<semaphore_mem>>) src(%arg13 : memref<80x128xf32, #tpu.memory_space<vmem>>) dst(%dma_wait3A_416 : memref<10000x128xf32, #tpu.memory_space<vmem_shared>>)
      } else {
      }
      %add3A_172 = arith.constant 1 : i32
      %add3A_173 = arith.addi %mul3A_147, %add3A_172 : i32
      %dma_start3A_174 = arith.constant 0 : i32
      %dma_start3A_175 = arith.constant 0 : i32
      %dma_start3A_176 = tpu.memref_slice %arg2[%dma_start3A_174, %dma_start3A_175] : memref<10000x128xf32, #tpu.memory_space<hbm>> -> memref<10000x128xf32, #tpu.memory_space<hbm>>
      tpu.enqueue_indirect_dma source(%dma_start3A_176 : memref<10000x128xf32, #tpu.memory_space<hbm>>) target(%arg13 : memref<80x128xf32, #tpu.memory_space<vmem>>) offsets(%arg11 : memref<80xi32, #tpu.memory_space<vmem>>) semaphore(%arg21 : memref<!tpu.dma_semaphore, #tpu.memory_space<semaphore_mem>>)
      %mul3A_177 = arith.constant 80 : i32
      %mul3A_178 = arith.muli %add3A_173, %mul3A_177 : i32
      %add3A_179 = arith.addi %mul3A_2, %mul3A_178 : i32
      %dma_start3A_180 = tpu.memref_slice %arg3[%add3A_179] : memref<320000xf32, #tpu.memory_space<hbm>> -> memref<80xf32, #tpu.memory_space<hbm>>
      %dma_start3A_181 = tpu.memref_slice %arg3[%add3A_179] : memref<320000xf32, #tpu.memory_space<hbm>> -> memref<80xf32, #tpu.memory_space<hbm>>
      tpu.enqueue_dma source(%dma_start3A_181 : memref<80xf32, #tpu.memory_space<hbm>>) target(%arg15 : memref<80xf32, #tpu.memory_space<vmem>>) target_semaphore(%arg23 : memref<!tpu.dma_semaphore, #tpu.memory_space<semaphore_mem>>)
      %add3A_182 = arith.constant 320000 : i32
      %add3A_183 = arith.addi %add3A_182, %mul3A_2 : i32
      %mul3A_184 = arith.constant 80 : i32
      %mul3A_185 = arith.muli %add3A_173, %mul3A_184 : i32
      %add3A_186 = arith.addi %add3A_183, %mul3A_185 : i32
      %dma_start3A_187 = tpu.memref_slice %arg5[%add3A_186] : memref<640000xi32, #tpu.memory_space<hbm>> -> memref<80xi32, #tpu.memory_space<hbm>>
      %dma_start3A_188 = tpu.memref_slice %arg5[%add3A_186] : memref<640000xi32, #tpu.memory_space<hbm>> -> memref<80xi32, #tpu.memory_space<hbm>>
      tpu.enqueue_dma source(%dma_start3A_188 : memref<80xi32, #tpu.memory_space<hbm>>) target(%arg17 : memref<80xi32, #tpu.memory_space<vmem>>) target_semaphore(%arg25 : memref<!tpu.dma_semaphore, #tpu.memory_space<semaphore_mem>>)
      %add3A_189 = arith.constant 2 : i32
      %add3A_190 = arith.addi %mul3A_147, %add3A_189 : i32
      %lt3A = arith.constant 125 : i32
      %lt3A_191 = arith.cmpi slt, %add3A_190, %lt3A : i32
      %convert_element_type3A_192 = arith.extui %lt3A_191 : i1 to i32
      %cond3A_193 = arith.constant 0 : i32
      %cond3A_194 = arith.cmpi ne, %convert_element_type3A_192, %cond3A_193 : i32
      scf.if %cond3A_194 {
        %mul3A_414 = arith.constant 80 : i32
        %mul3A_415 = arith.muli %add3A_190, %mul3A_414 : i32
        %add3A_416 = arith.addi %mul3A_2, %mul3A_415 : i32
        %dma_start3A_417 = tpu.memref_slice %arg5[%add3A_416] : memref<640000xi32, #tpu.memory_space<hbm>> -> memref<80xi32, #tpu.memory_space<hbm>>
        %dma_start3A_418 = tpu.memref_slice %arg5[%add3A_416] : memref<640000xi32, #tpu.memory_space<hbm>> -> memref<80xi32, #tpu.memory_space<hbm>>
        tpu.enqueue_dma source(%dma_start3A_418 : memref<80xi32, #tpu.memory_space<hbm>>) target(%arg10 : memref<80xi32, #tpu.memory_space<vmem>>) target_semaphore(%arg18 : memref<!tpu.dma_semaphore, #tpu.memory_space<semaphore_mem>>)
      } else {
      }
      %get3A_195 = arith.constant 0 : i32
      %get3A_196 = arith.index_cast %get3A_195 : i32 to index
      %get3A_197 = arith.constant 0 : index
      %get3A_198 = tpu.vector_load %arg9[%get3A_196, %get3A_197] {strides = array<i32>} : memref<2x128xf32, #tpu.memory_space<vmem>>, vector<1x16xf32>,
      %get3A_199 = vector.shape_cast %get3A_198 : vector<1x16xf32> to vector<16xf32>
      %get3A_200 = arith.constant 0 : i32
      %get3A_201 = arith.index_cast %get3A_200 : i32 to index
      %get3A_202 = arith.constant 16 : index
      %get3A_203 = tpu.vector_load %arg9[%get3A_201, %get3A_202] {strides = array<i32>} : memref<2x128xf32, #tpu.memory_space<vmem>>, vector<1x16xf32>,
      %get3A_204 = vector.shape_cast %get3A_203 : vector<1x16xf32> to vector<16xf32>
      %get3A_205 = arith.constant 0 : i32
      %get3A_206 = arith.index_cast %get3A_205 : i32 to index
      %get3A_207 = arith.constant 32 : index
      %get3A_208 = tpu.vector_load %arg9[%get3A_206, %get3A_207] {strides = array<i32>} : memref<2x128xf32, #tpu.memory_space<vmem>>, vector<1x16xf32>,
      %get3A_209 = vector.shape_cast %get3A_208 : vector<1x16xf32> to vector<16xf32>
      %get3A_210 = arith.constant 0 : i32
      %get3A_211 = arith.index_cast %get3A_210 : i32 to index
      %get3A_212 = arith.constant 48 : index
      %get3A_213 = tpu.vector_load %arg9[%get3A_211, %get3A_212] {strides = array<i32>} : memref<2x128xf32, #tpu.memory_space<vmem>>, vector<1x16xf32>,
      %get3A_214 = vector.shape_cast %get3A_213 : vector<1x16xf32> to vector<16xf32>
      %get3A_215 = arith.constant 0 : i32
      %get3A_216 = arith.index_cast %get3A_215 : i32 to index
      %get3A_217 = arith.constant 64 : index
      %get3A_218 = tpu.vector_load %arg9[%get3A_216, %get3A_217] {strides = array<i32>} : memref<2x128xf32, #tpu.memory_space<vmem>>, vector<1x16xf32>,
      %get3A_219 = vector.shape_cast %get3A_218 : vector<1x16xf32> to vector<16xf32>
      %get3A_220 = arith.constant 0 : i32
      %get3A_221 = arith.index_cast %get3A_220 : i32 to index
      %get3A_222 = arith.constant 80 : index
      %get3A_223 = tpu.vector_load %arg9[%get3A_221, %get3A_222] {strides = array<i32>} : memref<2x128xf32, #tpu.memory_space<vmem>>, vector<1x16xf32>,
      %get3A_224 = vector.shape_cast %get3A_223 : vector<1x16xf32> to vector<16xf32>
      %get3A_225 = arith.constant 0 : i32
      %get3A_226 = arith.index_cast %get3A_225 : i32 to index
      %get3A_227 = arith.constant 96 : index
      %get3A_228 = tpu.vector_load %arg9[%get3A_226, %get3A_227] {strides = array<i32>} : memref<2x128xf32, #tpu.memory_space<vmem>>, vector<1x16xf32>,
      %get3A_229 = vector.shape_cast %get3A_228 : vector<1x16xf32> to vector<16xf32>
      %get3A_230 = arith.constant 0 : i32
      %get3A_231 = arith.index_cast %get3A_230 : i32 to index
      %get3A_232 = arith.constant 112 : index
      %get3A_233 = tpu.vector_load %arg9[%get3A_231, %get3A_232] {strides = array<i32>} : memref<2x128xf32, #tpu.memory_space<vmem>>, vector<1x16xf32>,
      %get3A_234 = vector.shape_cast %get3A_233 : vector<1x16xf32> to vector<16xf32>
      %get3A_235 = arith.constant 1 : i32
      %get3A_236 = arith.index_cast %get3A_235 : i32 to index
      %get3A_237 = arith.constant 0 : index
      %get3A_238 = tpu.vector_load %arg9[%get3A_236, %get3A_237] {strides = array<i32>} : memref<2x128xf32, #tpu.memory_space<vmem>>, vector<1x16xf32>,
      %get3A_239 = vector.shape_cast %get3A_238 : vector<1x16xf32> to vector<16xf32>
      %get3A_240 = arith.constant 1 : i32
      %get3A_241 = arith.index_cast %get3A_240 : i32 to index
      %get3A_242 = arith.constant 16 : index
      %get3A_243 = tpu.vector_load %arg9[%get3A_241, %get3A_242] {strides = array<i32>} : memref<2x128xf32, #tpu.memory_space<vmem>>, vector<1x16xf32>,
      %get3A_244 = vector.shape_cast %get3A_243 : vector<1x16xf32> to vector<16xf32>
      %get3A_245 = arith.constant 1 : i32
      %get3A_246 = arith.index_cast %get3A_245 : i32 to index
      %get3A_247 = arith.constant 32 : index
      %get3A_248 = tpu.vector_load %arg9[%get3A_246, %get3A_247] {strides = array<i32>} : memref<2x128xf32, #tpu.memory_space<vmem>>, vector<1x16xf32>,
      %get3A_249 = vector.shape_cast %get3A_248 : vector<1x16xf32> to vector<16xf32>
      %get3A_250 = arith.constant 1 : i32
      %get3A_251 = arith.index_cast %get3A_250 : i32 to index
      %get3A_252 = arith.constant 48 : index
      %get3A_253 = tpu.vector_load %arg9[%get3A_251, %get3A_252] {strides = array<i32>} : memref<2x128xf32, #tpu.memory_space<vmem>>, vector<1x16xf32>,
      %get3A_254 = vector.shape_cast %get3A_253 : vector<1x16xf32> to vector<16xf32>
      %get3A_255 = arith.constant 1 : i32
      %get3A_256 = arith.index_cast %get3A_255 : i32 to index
      %get3A_257 = arith.constant 64 : index
      %get3A_258 = tpu.vector_load %arg9[%get3A_256, %get3A_257] {strides = array<i32>} : memref<2x128xf32, #tpu.memory_space<vmem>>, vector<1x16xf32>,
      %get3A_259 = vector.shape_cast %get3A_258 : vector<1x16xf32> to vector<16xf32>
      %get3A_260 = arith.constant 1 : i32
      %get3A_261 = arith.index_cast %get3A_260 : i32 to index
      %get3A_262 = arith.constant 80 : index
      %get3A_263 = tpu.vector_load %arg9[%get3A_261, %get3A_262] {strides = array<i32>} : memref<2x128xf32, #tpu.memory_space<vmem>>, vector<1x16xf32>,
      %get3A_264 = vector.shape_cast %get3A_263 : vector<1x16xf32> to vector<16xf32>
      %get3A_265 = arith.constant 1 : i32
      %get3A_266 = arith.index_cast %get3A_265 : i32 to index
      %get3A_267 = arith.constant 96 : index
      %get3A_268 = tpu.vector_load %arg9[%get3A_266, %get3A_267] {strides = array<i32>} : memref<2x128xf32, #tpu.memory_space<vmem>>, vector<1x16xf32>,
      %get3A_269 = vector.shape_cast %get3A_268 : vector<1x16xf32> to vector<16xf32>
      %get3A_270 = arith.constant 1 : i32
      %get3A_271 = arith.index_cast %get3A_270 : i32 to index
      %get3A_272 = arith.constant 112 : index
      %get3A_273 = tpu.vector_load %arg9[%get3A_271, %get3A_272] {strides = array<i32>} : memref<2x128xf32, #tpu.memory_space<vmem>>, vector<1x16xf32>,
      %get3A_274 = vector.shape_cast %get3A_273 : vector<1x16xf32> to vector<16xf32>
      %dma_start3A_275 = arith.constant 0 : i32
      %dma_start3A_276 = arith.constant 0 : i32
      %dma_start3A_277 = tpu.memref_slice %arg8[%dma_start3A_275, %dma_start3A_276] : memref<10000x128xf32, #tpu.memory_space<vmem_shared>> -> memref<10000x128xf32, #tpu.memory_space<vmem_shared>>
      tpu.enqueue_indirect_dma source(%arg12 : memref<80x128xf32, #tpu.memory_space<vmem>>) target(%dma_start3A_277 : memref<10000x128xf32, #tpu.memory_space<vmem_shared>>) offsets(%arg16 : memref<80xi32, #tpu.memory_space<vmem>>) semaphore(%arg26 : memref<!tpu.dma_semaphore, #tpu.memory_space<semaphore_mem>>) {add = true}
      %add3A_278 = arith.constant 1 : i32
      %add3A_279 = arith.addi %mul3A_147, %add3A_278 : i32
      %dma_wait3A_280 = arith.constant 0 : i32
      %dma_wait3A_281 = arith.constant 0 : i32
      %dma_wait3A_282 = tpu.memref_slice %arg2[%dma_wait3A_280, %dma_wait3A_281] : memref<10000x128xf32, #tpu.memory_space<hbm>> -> memref<10000x128xf32, #tpu.memory_space<hbm>>
      tpu.wait_indirect_dma semaphore(%arg21 : memref<!tpu.dma_semaphore, #tpu.memory_space<semaphore_mem>>) src(%dma_wait3A_282 : memref<10000x128xf32, #tpu.memory_space<hbm>>) dst(%arg13 : memref<80x128xf32, #tpu.memory_space<vmem>>)
      %mul3A_283 = arith.constant 80 : i32
      %mul3A_284 = arith.muli %add3A_279, %mul3A_283 : i32
      %add3A_285 = arith.addi %mul3A_2, %mul3A_284 : i32
      %dma_wait3A_286 = tpu.memref_slice %arg3[%add3A_285] : memref<320000xf32, #tpu.memory_space<hbm>> -> memref<80xf32, #tpu.memory_space<hbm>>
      %dma_wait3A_287 = tpu.memref_slice %arg3[%add3A_285] : memref<320000xf32, #tpu.memory_space<hbm>> -> memref<80xf32, #tpu.memory_space<hbm>>
      tpu.wait_dma2 semaphore(%arg23 : memref<!tpu.dma_semaphore, #tpu.memory_space<semaphore_mem>>) src(%dma_wait3A_287 : memref<80xf32, #tpu.memory_space<hbm>>) dst(%arg15 : memref<80xf32, #tpu.memory_space<vmem>>)
      %add3A_288 = arith.constant 320000 : i32
      %add3A_289 = arith.addi %add3A_288, %mul3A_2 : i32
      %mul3A_290 = arith.constant 80 : i32
      %mul3A_291 = arith.muli %add3A_279, %mul3A_290 : i32
      %add3A_292 = arith.addi %add3A_289, %mul3A_291 : i32
      %dma_wait3A_293 = tpu.memref_slice %arg5[%add3A_292] : memref<640000xi32, #tpu.memory_space<hbm>> -> memref<80xi32, #tpu.memory_space<hbm>>
      %dma_wait3A_294 = tpu.memref_slice %arg5[%add3A_292] : memref<640000xi32, #tpu.memory_space<hbm>> -> memref<80xi32, #tpu.memory_space<hbm>>
      tpu.wait_dma2 semaphore(%arg25 : memref<!tpu.dma_semaphore, #tpu.memory_space<semaphore_mem>>) src(%dma_wait3A_294 : memref<80xi32, #tpu.memory_space<hbm>>) dst(%arg17 : memref<80xi32, #tpu.memory_space<vmem>>)
      %add3A_295 = arith.constant 1 : i32
      %add3A_296 = arith.addi %add3A_279, %add3A_295 : i32
      %mul3A_297 = arith.constant 80 : i32
      %mul3A_298 = arith.muli %add3A_296, %mul3A_297 : i32
      %add3A_299 = arith.addi %mul3A_2, %mul3A_298 : i32
      %dma_wait3A_300 = tpu.memref_slice %arg5[%add3A_299] : memref<640000xi32, #tpu.memory_space<hbm>> -> memref<80xi32, #tpu.memory_space<hbm>>
      %dma_wait3A_301 = tpu.memref_slice %arg5[%add3A_299] : memref<640000xi32, #tpu.memory_space<hbm>> -> memref<80xi32, #tpu.memory_space<hbm>>
      tpu.wait_dma2 semaphore(%arg18 : memref<!tpu.dma_semaphore, #tpu.memory_space<semaphore_mem>>) src(%dma_wait3A_301 : memref<80xi32, #tpu.memory_space<hbm>>) dst(%arg10 : memref<80xi32, #tpu.memory_space<vmem>>)
      %gt3A_302 = arith.constant 0 : i32
      %gt3A_303 = arith.cmpi sgt, %add3A_279, %gt3A_302 : i32
      %convert_element_type3A_304 = arith.extui %gt3A_303 : i1 to i32
      %cond3A_305 = arith.constant 0 : i32
      %cond3A_306 = arith.cmpi ne, %convert_element_type3A_304, %cond3A_305 : i32
      scf.if %cond3A_306 {
        %dma_wait3A_414 = arith.constant 0 : i32
        %dma_wait3A_415 = arith.constant 0 : i32
        %dma_wait3A_416 = tpu.memref_slice %arg8[%dma_wait3A_414, %dma_wait3A_415] : memref<10000x128xf32, #tpu.memory_space<vmem_shared>> -> memref<10000x128xf32, #tpu.memory_space<vmem_shared>>
        tpu.wait_indirect_dma semaphore(%arg26 : memref<!tpu.dma_semaphore, #tpu.memory_space<semaphore_mem>>) src(%arg12 : memref<80x128xf32, #tpu.memory_space<vmem>>) dst(%dma_wait3A_416 : memref<10000x128xf32, #tpu.memory_space<vmem_shared>>)
      } else {
      }
      %add3A_307 = arith.constant 1 : i32
      %add3A_308 = arith.addi %add3A_279, %add3A_307 : i32
      %dma_start3A_309 = arith.constant 0 : i32
      %dma_start3A_310 = arith.constant 0 : i32
      %dma_start3A_311 = tpu.memref_slice %arg2[%dma_start3A_309, %dma_start3A_310] : memref<10000x128xf32, #tpu.memory_space<hbm>> -> memref<10000x128xf32, #tpu.memory_space<hbm>>
      tpu.enqueue_indirect_dma source(%dma_start3A_311 : memref<10000x128xf32, #tpu.memory_space<hbm>>) target(%arg12 : memref<80x128xf32, #tpu.memory_space<vmem>>) offsets(%arg10 : memref<80xi32, #tpu.memory_space<vmem>>) semaphore(%arg20 : memref<!tpu.dma_semaphore, #tpu.memory_space<semaphore_mem>>)
      %mul3A_312 = arith.constant 80 : i32
      %mul3A_313 = arith.muli %add3A_308, %mul3A_312 : i32
      %add3A_314 = arith.addi %mul3A_2, %mul3A_313 : i32
      %dma_start3A_315 = tpu.memref_slice %arg3[%add3A_314] : memref<320000xf32, #tpu.memory_space<hbm>> -> memref<80xf32, #tpu.memory_space<hbm>>
      %dma_start3A_316 = tpu.memref_slice %arg3[%add3A_314] : memref<320000xf32, #tpu.memory_space<hbm>> -> memref<80xf32, #tpu.memory_space<hbm>>
      tpu.enqueue_dma source(%dma_start3A_316 : memref<80xf32, #tpu.memory_space<hbm>>) target(%arg14 : memref<80xf32, #tpu.memory_space<vmem>>) target_semaphore(%arg22 : memref<!tpu.dma_semaphore, #tpu.memory_space<semaphore_mem>>)
      %add3A_317 = arith.constant 320000 : i32
      %add3A_318 = arith.addi %add3A_317, %mul3A_2 : i32
      %mul3A_319 = arith.constant 80 : i32
      %mul3A_320 = arith.muli %add3A_308, %mul3A_319 : i32
      %add3A_321 = arith.addi %add3A_318, %mul3A_320 : i32
      %dma_start3A_322 = tpu.memref_slice %arg5[%add3A_321] : memref<640000xi32, #tpu.memory_space<hbm>> -> memref<80xi32, #tpu.memory_space<hbm>>
      %dma_start3A_323 = tpu.memref_slice %arg5[%add3A_321] : memref<640000xi32, #tpu.memory_space<hbm>> -> memref<80xi32, #tpu.memory_space<hbm>>
      tpu.enqueue_dma source(%dma_start3A_323 : memref<80xi32, #tpu.memory_space<hbm>>) target(%arg16 : memref<80xi32, #tpu.memory_space<vmem>>) target_semaphore(%arg24 : memref<!tpu.dma_semaphore, #tpu.memory_space<semaphore_mem>>)
      %add3A_324 = arith.constant 2 : i32
      %add3A_325 = arith.addi %add3A_279, %add3A_324 : i32
      %lt3A_326 = arith.constant 125 : i32
      %lt3A_327 = arith.cmpi slt, %add3A_325, %lt3A_326 : i32
      %convert_element_type3A_328 = arith.extui %lt3A_327 : i1 to i32
      %cond3A_329 = arith.constant 0 : i32
      %cond3A_330 = arith.cmpi ne, %convert_element_type3A_328, %cond3A_329 : i32
      scf.if %cond3A_330 {
        %mul3A_414 = arith.constant 80 : i32
        %mul3A_415 = arith.muli %add3A_325, %mul3A_414 : i32
        %add3A_416 = arith.addi %mul3A_2, %mul3A_415 : i32
        %dma_start3A_417 = tpu.memref_slice %arg5[%add3A_416] : memref<640000xi32, #tpu.memory_space<hbm>> -> memref<80xi32, #tpu.memory_space<hbm>>
        %dma_start3A_418 = tpu.memref_slice %arg5[%add3A_416] : memref<640000xi32, #tpu.memory_space<hbm>> -> memref<80xi32, #tpu.memory_space<hbm>>
        tpu.enqueue_dma source(%dma_start3A_418 : memref<80xi32, #tpu.memory_space<hbm>>) target(%arg11 : memref<80xi32, #tpu.memory_space<vmem>>) target_semaphore(%arg19 : memref<!tpu.dma_semaphore, #tpu.memory_space<semaphore_mem>>)
      } else {
      }
      %get3A_331 = arith.constant 0 : i32
      %get3A_332 = arith.index_cast %get3A_331 : i32 to index
      %get3A_333 = arith.constant 0 : index
      %get3A_334 = tpu.vector_load %arg9[%get3A_332, %get3A_333] {strides = array<i32>} : memref<2x128xf32, #tpu.memory_space<vmem>>, vector<1x16xf32>,
      %get3A_335 = vector.shape_cast %get3A_334 : vector<1x16xf32> to vector<16xf32>
      %get3A_336 = arith.constant 0 : i32
      %get3A_337 = arith.index_cast %get3A_336 : i32 to index
      %get3A_338 = arith.constant 16 : index
      %get3A_339 = tpu.vector_load %arg9[%get3A_337, %get3A_338] {strides = array<i32>} : memref<2x128xf32, #tpu.memory_space<vmem>>, vector<1x16xf32>,
      %get3A_340 = vector.shape_cast %get3A_339 : vector<1x16xf32> to vector<16xf32>
      %get3A_341 = arith.constant 0 : i32
      %get3A_342 = arith.index_cast %get3A_341 : i32 to index
      %get3A_343 = arith.constant 32 : index
      %get3A_344 = tpu.vector_load %arg9[%get3A_342, %get3A_343] {strides = array<i32>} : memref<2x128xf32, #tpu.memory_space<vmem>>, vector<1x16xf32>,
      %get3A_345 = vector.shape_cast %get3A_344 : vector<1x16xf32> to vector<16xf32>
      %get3A_346 = arith.constant 0 : i32
      %get3A_347 = arith.index_cast %get3A_346 : i32 to index
      %get3A_348 = arith.constant 48 : index
      %get3A_349 = tpu.vector_load %arg9[%get3A_347, %get3A_348] {strides = array<i32>} : memref<2x128xf32, #tpu.memory_space<vmem>>, vector<1x16xf32>,
      %get3A_350 = vector.shape_cast %get3A_349 : vector<1x16xf32> to vector<16xf32>
      %get3A_351 = arith.constant 0 : i32
      %get3A_352 = arith.index_cast %get3A_351 : i32 to index
      %get3A_353 = arith.constant 64 : index
      %get3A_354 = tpu.vector_load %arg9[%get3A_352, %get3A_353] {strides = array<i32>} : memref<2x128xf32, #tpu.memory_space<vmem>>, vector<1x16xf32>,
      %get3A_355 = vector.shape_cast %get3A_354 : vector<1x16xf32> to vector<16xf32>
      %get3A_356 = arith.constant 0 : i32
      %get3A_357 = arith.index_cast %get3A_356 : i32 to index
      %get3A_358 = arith.constant 80 : index
      %get3A_359 = tpu.vector_load %arg9[%get3A_357, %get3A_358] {strides = array<i32>} : memref<2x128xf32, #tpu.memory_space<vmem>>, vector<1x16xf32>,
      %get3A_360 = vector.shape_cast %get3A_359 : vector<1x16xf32> to vector<16xf32>
      %get3A_361 = arith.constant 0 : i32
      %get3A_362 = arith.index_cast %get3A_361 : i32 to index
      %get3A_363 = arith.constant 96 : index
      %get3A_364 = tpu.vector_load %arg9[%get3A_362, %get3A_363] {strides = array<i32>} : memref<2x128xf32, #tpu.memory_space<vmem>>, vector<1x16xf32>,
      %get3A_365 = vector.shape_cast %get3A_364 : vector<1x16xf32> to vector<16xf32>
      %get3A_366 = arith.constant 0 : i32
      %get3A_367 = arith.index_cast %get3A_366 : i32 to index
      %get3A_368 = arith.constant 112 : index
      %get3A_369 = tpu.vector_load %arg9[%get3A_367, %get3A_368] {strides = array<i32>} : memref<2x128xf32, #tpu.memory_space<vmem>>, vector<1x16xf32>,
      %get3A_370 = vector.shape_cast %get3A_369 : vector<1x16xf32> to vector<16xf32>
      %get3A_371 = arith.constant 1 : i32
      %get3A_372 = arith.index_cast %get3A_371 : i32 to index
      %get3A_373 = arith.constant 0 : index
      %get3A_374 = tpu.vector_load %arg9[%get3A_372, %get3A_373] {strides = array<i32>} : memref<2x128xf32, #tpu.memory_space<vmem>>, vector<1x16xf32>,
      %get3A_375 = vector.shape_cast %get3A_374 : vector<1x16xf32> to vector<16xf32>
      %get3A_376 = arith.constant 1 : i32
      %get3A_377 = arith.index_cast %get3A_376 : i32 to index
      %get3A_378 = arith.constant 16 : index
      %get3A_379 = tpu.vector_load %arg9[%get3A_377, %get3A_378] {strides = array<i32>} : memref<2x128xf32, #tpu.memory_space<vmem>>, vector<1x16xf32>,
      %get3A_380 = vector.shape_cast %get3A_379 : vector<1x16xf32> to vector<16xf32>
      %get3A_381 = arith.constant 1 : i32
      %get3A_382 = arith.index_cast %get3A_381 : i32 to index
      %get3A_383 = arith.constant 32 : index
      %get3A_384 = tpu.vector_load %arg9[%get3A_382, %get3A_383] {strides = array<i32>} : memref<2x128xf32, #tpu.memory_space<vmem>>, vector<1x16xf32>,
      %get3A_385 = vector.shape_cast %get3A_384 : vector<1x16xf32> to vector<16xf32>
      %get3A_386 = arith.constant 1 : i32
      %get3A_387 = arith.index_cast %get3A_386 : i32 to index
      %get3A_388 = arith.constant 48 : index
      %get3A_389 = tpu.vector_load %arg9[%get3A_387, %get3A_388] {strides = array<i32>} : memref<2x128xf32, #tpu.memory_space<vmem>>, vector<1x16xf32>,
      %get3A_390 = vector.shape_cast %get3A_389 : vector<1x16xf32> to vector<16xf32>
      %get3A_391 = arith.constant 1 : i32
      %get3A_392 = arith.index_cast %get3A_391 : i32 to index
      %get3A_393 = arith.constant 64 : index
      %get3A_394 = tpu.vector_load %arg9[%get3A_392, %get3A_393] {strides = array<i32>} : memref<2x128xf32, #tpu.memory_space<vmem>>, vector<1x16xf32>,
      %get3A_395 = vector.shape_cast %get3A_394 : vector<1x16xf32> to vector<16xf32>
      %get3A_396 = arith.constant 1 : i32
      %get3A_397 = arith.index_cast %get3A_396 : i32 to index
      %get3A_398 = arith.constant 80 : index
      %get3A_399 = tpu.vector_load %arg9[%get3A_397, %get3A_398] {strides = array<i32>} : memref<2x128xf32, #tpu.memory_space<vmem>>, vector<1x16xf32>,
      %get3A_400 = vector.shape_cast %get3A_399 : vector<1x16xf32> to vector<16xf32>
      %get3A_401 = arith.constant 1 : i32
      %get3A_402 = arith.index_cast %get3A_401 : i32 to index
      %get3A_403 = arith.constant 96 : index
      %get3A_404 = tpu.vector_load %arg9[%get3A_402, %get3A_403] {strides = array<i32>} : memref<2x128xf32, #tpu.memory_space<vmem>>, vector<1x16xf32>,
      %get3A_405 = vector.shape_cast %get3A_404 : vector<1x16xf32> to vector<16xf32>
      %get3A_406 = arith.constant 1 : i32
      %get3A_407 = arith.index_cast %get3A_406 : i32 to index
      %get3A_408 = arith.constant 112 : index
      %get3A_409 = tpu.vector_load %arg9[%get3A_407, %get3A_408] {strides = array<i32>} : memref<2x128xf32, #tpu.memory_space<vmem>>, vector<1x16xf32>,
      %get3A_410 = vector.shape_cast %get3A_409 : vector<1x16xf32> to vector<16xf32>
      %dma_start3A_411 = arith.constant 0 : i32
      %dma_start3A_412 = arith.constant 0 : i32
      %dma_start3A_413 = tpu.memref_slice %arg8[%dma_start3A_411, %dma_start3A_412] : memref<10000x128xf32, #tpu.memory_space<vmem_shared>> -> memref<10000x128xf32, #tpu.memory_space<vmem_shared>>
      tpu.enqueue_indirect_dma source(%arg13 : memref<80x128xf32, #tpu.memory_space<vmem>>) target(%dma_start3A_413 : memref<10000x128xf32, #tpu.memory_space<vmem_shared>>) offsets(%arg17 : memref<80xi32, #tpu.memory_space<vmem>>) semaphore(%arg27 : memref<!tpu.dma_semaphore, #tpu.memory_space<semaphore_mem>>) {add = true}
    }
    %scan3A_36 = arith.constant 62 : i32
    %dma_wait3A_37 = arith.constant 0 : i32
    %dma_wait3A_38 = arith.constant 0 : i32
    %dma_wait3A_39 = tpu.memref_slice %arg2[%dma_wait3A_37, %dma_wait3A_38] : memref<10000x128xf32, #tpu.memory_space<hbm>> -> memref<10000x128xf32, #tpu.memory_space<hbm>>
    tpu.wait_indirect_dma semaphore(%arg20 : memref<!tpu.dma_semaphore, #tpu.memory_space<semaphore_mem>>) src(%dma_wait3A_39 : memref<10000x128xf32, #tpu.memory_space<hbm>>) dst(%arg12 : memref<80x128xf32, #tpu.memory_space<vmem>>)
    %add3A_40 = arith.constant 9920 : i32
    %add3A_41 = arith.addi %mul3A_2, %add3A_40 : i32
    %dma_wait3A_42 = tpu.memref_slice %arg3[%add3A_41] : memref<320000xf32, #tpu.memory_space<hbm>> -> memref<80xf32, #tpu.memory_space<hbm>>
    %dma_wait3A_43 = tpu.memref_slice %arg3[%add3A_41] : memref<320000xf32, #tpu.memory_space<hbm>> -> memref<80xf32, #tpu.memory_space<hbm>>
    tpu.wait_dma2 semaphore(%arg22 : memref<!tpu.dma_semaphore, #tpu.memory_space<semaphore_mem>>) src(%dma_wait3A_43 : memref<80xf32, #tpu.memory_space<hbm>>) dst(%arg14 : memref<80xf32, #tpu.memory_space<vmem>>)
    %add3A_44 = arith.constant 320000 : i32
    %add3A_45 = arith.addi %add3A_44, %mul3A_2 : i32
    %add3A_46 = arith.constant 9920 : i32
    %add3A_47 = arith.addi %add3A_45, %add3A_46 : i32
    %dma_wait3A_48 = tpu.memref_slice %arg5[%add3A_47] : memref<640000xi32, #tpu.memory_space<hbm>> -> memref<80xi32, #tpu.memory_space<hbm>>
    %dma_wait3A_49 = tpu.memref_slice %arg5[%add3A_47] : memref<640000xi32, #tpu.memory_space<hbm>> -> memref<80xi32, #tpu.memory_space<hbm>>
    tpu.wait_dma2 semaphore(%arg24 : memref<!tpu.dma_semaphore, #tpu.memory_space<semaphore_mem>>) src(%dma_wait3A_49 : memref<80xi32, #tpu.memory_space<hbm>>) dst(%arg16 : memref<80xi32, #tpu.memory_space<vmem>>)
    %dma_wait3A_50 = arith.constant 0 : i32
    %dma_wait3A_51 = arith.constant 0 : i32
    %dma_wait3A_52 = tpu.memref_slice %arg8[%dma_wait3A_50, %dma_wait3A_51] : memref<10000x128xf32, #tpu.memory_space<vmem_shared>> -> memref<10000x128xf32, #tpu.memory_space<vmem_shared>>
    tpu.wait_indirect_dma semaphore(%arg27 : memref<!tpu.dma_semaphore, #tpu.memory_space<semaphore_mem>>) src(%arg13 : memref<80x128xf32, #tpu.memory_space<vmem>>) dst(%dma_wait3A_52 : memref<10000x128xf32, #tpu.memory_space<vmem_shared>>)
    %get3A = arith.constant 0 : i32
    %get3A_53 = arith.index_cast %get3A : i32 to index
    %get3A_54 = arith.constant 0 : index
    %get3A_55 = tpu.vector_load %arg9[%get3A_53, %get3A_54] {strides = array<i32>} : memref<2x128xf32, #tpu.memory_space<vmem>>, vector<1x16xf32>,
    %get3A_56 = vector.shape_cast %get3A_55 : vector<1x16xf32> to vector<16xf32>
    %get3A_57 = arith.constant 0 : i32
    %get3A_58 = arith.index_cast %get3A_57 : i32 to index
    %get3A_59 = arith.constant 16 : index
    %get3A_60 = tpu.vector_load %arg9[%get3A_58, %get3A_59] {strides = array<i32>} : memref<2x128xf32, #tpu.memory_space<vmem>>, vector<1x16xf32>,
    %get3A_61 = vector.shape_cast %get3A_60 : vector<1x16xf32> to vector<16xf32>
    %get3A_62 = arith.constant 0 : i32
    %get3A_63 = arith.index_cast %get3A_62 : i32 to index
    %get3A_64 = arith.constant 32 : index
    %get3A_65 = tpu.vector_load %arg9[%get3A_63, %get3A_64] {strides = array<i32>} : memref<2x128xf32, #tpu.memory_space<vmem>>, vector<1x16xf32>,
    %get3A_66 = vector.shape_cast %get3A_65 : vector<1x16xf32> to vector<16xf32>
    %get3A_67 = arith.constant 0 : i32
    %get3A_68 = arith.index_cast %get3A_67 : i32 to index
    %get3A_69 = arith.constant 48 : index
    %get3A_70 = tpu.vector_load %arg9[%get3A_68, %get3A_69] {strides = array<i32>} : memref<2x128xf32, #tpu.memory_space<vmem>>, vector<1x16xf32>,
    %get3A_71 = vector.shape_cast %get3A_70 : vector<1x16xf32> to vector<16xf32>
    %get3A_72 = arith.constant 0 : i32
    %get3A_73 = arith.index_cast %get3A_72 : i32 to index
    %get3A_74 = arith.constant 64 : index
    %get3A_75 = tpu.vector_load %arg9[%get3A_73, %get3A_74] {strides = array<i32>} : memref<2x128xf32, #tpu.memory_space<vmem>>, vector<1x16xf32>,
    %get3A_76 = vector.shape_cast %get3A_75 : vector<1x16xf32> to vector<16xf32>
    %get3A_77 = arith.constant 0 : i32
    %get3A_78 = arith.index_cast %get3A_77 : i32 to index
    %get3A_79 = arith.constant 80 : index
    %get3A_80 = tpu.vector_load %arg9[%get3A_78, %get3A_79] {strides = array<i32>} : memref<2x128xf32, #tpu.memory_space<vmem>>, vector<1x16xf32>,
    %get3A_81 = vector.shape_cast %get3A_80 : vector<1x16xf32> to vector<16xf32>
    %get3A_82 = arith.constant 0 : i32
    %get3A_83 = arith.index_cast %get3A_82 : i32 to index
    %get3A_84 = arith.constant 96 : index
    %get3A_85 = tpu.vector_load %arg9[%get3A_83, %get3A_84] {strides = array<i32>} : memref<2x128xf32, #tpu.memory_space<vmem>>, vector<1x16xf32>,
    %get3A_86 = vector.shape_cast %get3A_85 : vector<1x16xf32> to vector<16xf32>
    %get3A_87 = arith.constant 0 : i32
    %get3A_88 = arith.index_cast %get3A_87 : i32 to index
    %get3A_89 = arith.constant 112 : index
    %get3A_90 = tpu.vector_load %arg9[%get3A_88, %get3A_89] {strides = array<i32>} : memref<2x128xf32, #tpu.memory_space<vmem>>, vector<1x16xf32>,
    %get3A_91 = vector.shape_cast %get3A_90 : vector<1x16xf32> to vector<16xf32>
    %get3A_92 = arith.constant 1 : i32
    %get3A_93 = arith.index_cast %get3A_92 : i32 to index
    %get3A_94 = arith.constant 0 : index
    %get3A_95 = tpu.vector_load %arg9[%get3A_93, %get3A_94] {strides = array<i32>} : memref<2x128xf32, #tpu.memory_space<vmem>>, vector<1x16xf32>,
    %get3A_96 = vector.shape_cast %get3A_95 : vector<1x16xf32> to vector<16xf32>
    %get3A_97 = arith.constant 1 : i32
    %get3A_98 = arith.index_cast %get3A_97 : i32 to index
    %get3A_99 = arith.constant 16 : index
    %get3A_100 = tpu.vector_load %arg9[%get3A_98, %get3A_99] {strides = array<i32>} : memref<2x128xf32, #tpu.memory_space<vmem>>, vector<1x16xf32>,
    %get3A_101 = vector.shape_cast %get3A_100 : vector<1x16xf32> to vector<16xf32>
    %get3A_102 = arith.constant 1 : i32
    %get3A_103 = arith.index_cast %get3A_102 : i32 to index
    %get3A_104 = arith.constant 32 : index
    %get3A_105 = tpu.vector_load %arg9[%get3A_103, %get3A_104] {strides = array<i32>} : memref<2x128xf32, #tpu.memory_space<vmem>>, vector<1x16xf32>,
    %get3A_106 = vector.shape_cast %get3A_105 : vector<1x16xf32> to vector<16xf32>
    %get3A_107 = arith.constant 1 : i32
    %get3A_108 = arith.index_cast %get3A_107 : i32 to index
    %get3A_109 = arith.constant 48 : index
    %get3A_110 = tpu.vector_load %arg9[%get3A_108, %get3A_109] {strides = array<i32>} : memref<2x128xf32, #tpu.memory_space<vmem>>, vector<1x16xf32>,
    %get3A_111 = vector.shape_cast %get3A_110 : vector<1x16xf32> to vector<16xf32>
    %get3A_112 = arith.constant 1 : i32
    %get3A_113 = arith.index_cast %get3A_112 : i32 to index
    %get3A_114 = arith.constant 64 : index
    %get3A_115 = tpu.vector_load %arg9[%get3A_113, %get3A_114] {strides = array<i32>} : memref<2x128xf32, #tpu.memory_space<vmem>>, vector<1x16xf32>,
    %get3A_116 = vector.shape_cast %get3A_115 : vector<1x16xf32> to vector<16xf32>
    %get3A_117 = arith.constant 1 : i32
    %get3A_118 = arith.index_cast %get3A_117 : i32 to index
    %get3A_119 = arith.constant 80 : index
    %get3A_120 = tpu.vector_load %arg9[%get3A_118, %get3A_119] {strides = array<i32>} : memref<2x128xf32, #tpu.memory_space<vmem>>, vector<1x16xf32>,
    %get3A_121 = vector.shape_cast %get3A_120 : vector<1x16xf32> to vector<16xf32>
    %get3A_122 = arith.constant 1 : i32
    %get3A_123 = arith.index_cast %get3A_122 : i32 to index
    %get3A_124 = arith.constant 96 : index
    %get3A_125 = tpu.vector_load %arg9[%get3A_123, %get3A_124] {strides = array<i32>} : memref<2x128xf32, #tpu.memory_space<vmem>>, vector<1x16xf32>,
    %get3A_126 = vector.shape_cast %get3A_125 : vector<1x16xf32> to vector<16xf32>
    %get3A_127 = arith.constant 1 : i32
    %get3A_128 = arith.index_cast %get3A_127 : i32 to index
    %get3A_129 = arith.constant 112 : index
    %get3A_130 = tpu.vector_load %arg9[%get3A_128, %get3A_129] {strides = array<i32>} : memref<2x128xf32, #tpu.memory_space<vmem>>, vector<1x16xf32>,
    %get3A_131 = vector.shape_cast %get3A_130 : vector<1x16xf32> to vector<16xf32>
    %dma_start3A_132 = arith.constant 0 : i32
    %dma_start3A_133 = arith.constant 0 : i32
    %dma_start3A_134 = tpu.memref_slice %arg8[%dma_start3A_132, %dma_start3A_133] : memref<10000x128xf32, #tpu.memory_space<vmem_shared>> -> memref<10000x128xf32, #tpu.memory_space<vmem_shared>>
    tpu.enqueue_indirect_dma source(%arg12 : memref<80x128xf32, #tpu.memory_space<vmem>>) target(%dma_start3A_134 : memref<10000x128xf32, #tpu.memory_space<vmem_shared>>) offsets(%arg16 : memref<80xi32, #tpu.memory_space<vmem>>) semaphore(%arg26 : memref<!tpu.dma_semaphore, #tpu.memory_space<semaphore_mem>>) {add = true}
    %dma_wait3A_135 = arith.constant 0 : i32
    %dma_wait3A_136 = arith.constant 0 : i32
    %dma_wait3A_137 = tpu.memref_slice %arg8[%dma_wait3A_135, %dma_wait3A_136] : memref<10000x128xf32, #tpu.memory_space<vmem_shared>> -> memref<10000x128xf32, #tpu.memory_space<vmem_shared>>
    tpu.wait_indirect_dma semaphore(%arg26 : memref<!tpu.dma_semaphore, #tpu.memory_space<semaphore_mem>>) src(%arg12 : memref<80x128xf32, #tpu.memory_space<vmem>>) dst(%dma_wait3A_137 : memref<10000x128xf32, #tpu.memory_space<vmem_shared>>)
    %barrier3A_138 = arith.constant 0 : index
    tpu.barrier barrier_id(%barrier3A_138)
    %scan3A_139 = arith.constant 0 : i32
    %scan3A_140 = arith.constant 0 : i32
    %scan3A_141 = arith.constant 8 : i32
    %scan3A_142 = arith.addi %scan3A_140, %scan3A_141 : i32
    %scan3A_143 = arith.constant 1 : i32
    scf.for %scan3A_145 = %scan3A_140 to %scan3A_142 step %scan3A_143  : i32 {
      %mul3A_146 = arith.constant 16 : i32
      %mul3A_147 = arith.muli %scan3A_145, %mul3A_146 : i32
      %add3A_148 = arith.addi %arg1, %mul3A_147 : i32
      %lt3A = arith.constant 125 : i32
      %lt3A_149 = arith.cmpi slt, %add3A_148, %lt3A : i32
      %convert_element_type3A = arith.extui %lt3A_149 : i1 to i32
      %cond3A = arith.constant 0 : i32
      %cond3A_150 = arith.cmpi ne, %convert_element_type3A, %cond3A : i32
      scf.if %cond3A_150 {
        %mul3A_151 = arith.constant 80 : i32
        %mul3A_152 = arith.muli %add3A_148, %mul3A_151 : i32
        %mul3A_153 = arith.constant 80 : i32
        %mul3A_154 = arith.muli %add3A_148, %mul3A_153 : i32
        "tpu.region"() ({
          %run_scoped3A = tpu.sem_alloc : memref<!tpu.dma_semaphore, #tpu.memory_space<semaphore_mem>>
          %dma_start3A_155 = arith.constant 0 : i32
          %dma_start3A_156 = tpu.memref_slice %arg7[%arg0, %mul3A_154, %dma_start3A_155] : memref<2x10000x128xf32, #tpu.memory_space<hbm>> -> memref<1x80x128xf32, #tpu.memory_space<hbm>>
          %dma_start3A_157 = tpu.memref_squeeze %dma_start3A_156 : memref<1x80x128xf32, #tpu.memory_space<hbm>> -> memref<80x128xf32, #tpu.memory_space<hbm>>
          %dma_start3A_158 = arith.constant 0 : i32
          %dma_start3A_159 = tpu.memref_slice %arg8[%mul3A_152, %dma_start3A_158] : memref<10000x128xf32, #tpu.memory_space<vmem_shared>> -> memref<80x128xf32, #tpu.memory_space<vmem_shared>>
          tpu.enqueue_dma source(%dma_start3A_159 : memref<80x128xf32, #tpu.memory_space<vmem_shared>>) target(%dma_start3A_157 : memref<80x128xf32, #tpu.memory_space<hbm>>) target_semaphore(%run_scoped3A : memref<!tpu.dma_semaphore, #tpu.memory_space<semaphore_mem>>)
          %dma_wait3A_160 = arith.constant 0 : i32
          %dma_wait3A_161 = tpu.memref_slice %arg7[%arg0, %mul3A_154, %dma_wait3A_160] : memref<2x10000x128xf32, #tpu.memory_space<hbm>> -> memref<1x80x128xf32, #tpu.memory_space<hbm>>
          %dma_wait3A_162 = tpu.memref_squeeze %dma_wait3A_161 : memref<1x80x128xf32, #tpu.memory_space<hbm>> -> memref<80x128xf32, #tpu.memory_space<hbm>>
          %dma_wait3A_163 = arith.constant 0 : i32
          %dma_wait3A_164 = tpu.memref_slice %arg8[%mul3A_152, %dma_wait3A_163] : memref<10000x128xf32, #tpu.memory_space<vmem_shared>> -> memref<80x128xf32, #tpu.memory_space<vmem_shared>>
          tpu.wait_dma2 semaphore(%run_scoped3A : memref<!tpu.dma_semaphore, #tpu.memory_space<semaphore_mem>>) src(%dma_wait3A_164 : memref<80x128xf32, #tpu.memory_space<vmem_shared>>) dst(%dma_wait3A_162 : memref<80x128xf32, #tpu.memory_space<hbm>>)
          tpu.yield
        }) : () -> ()
      } else {
      }
    }
    %scan3A_144 = arith.constant 8 : i32
    return
  }
}

module attributes {stable_mosaic.version = 14 : i64} {
  func.func @_u_body(%arg0: memref<1x128xf32, #tpu.memory_space<vmem>>, %arg1: memref<128x128xf32, #tpu.memory_space<vmem>>, %arg2: memref<1x128xf32, #tpu.memory_space<vmem>>) attributes {dimension_semantics = [], scalar_prefetch = 0 : i64, scratch_operands = 0 : i64, tpu.core_type = #tpu.core_type<tc>} {
    %get3A = arith.constant 0 : index
    %get3A_0 = arith.constant 0 : index
    %get3A_1 = vector.load %arg0[%get3A, %get3A_0] : memref<1x128xf32, #tpu.memory_space<vmem>>, vector<1x128xf32>
    %ge3A = arith.constant 0.000000e+00 : f32
    %ge3A_2 = vector.broadcast %ge3A : f32 to vector<1x128xf32>
    %ge3A_3 = arith.cmpf oge, %get3A_1, %ge3A_2 : vector<1x128xf32>
    %mul3A = arith.constant 2.000000e-01 : f32
    %mul3A_4 = vector.broadcast %mul3A : f32 to vector<1x128xf32>
    %mul3A_5 = arith.mulf %mul3A_4, %get3A_1 : vector<1x128xf32>
    %select_n3A = arith.select %ge3A_3, %get3A_1, %mul3A_5 : vector<1x128xi1>, vector<1x128xf32>
    %get3A_6 = arith.constant 0 : index
    %get3A_7 = arith.constant 0 : index
    %get3A_8 = vector.load %arg1[%get3A_6, %get3A_7] : memref<128x128xf32, #tpu.memory_space<vmem>>, vector<128x128xf32>
    %dot_general3A = arith.constant dense<0.000000e+00> : vector<1x128xf32>
    %dot_general3A_9 = tpu.matmul %select_n3A, %get3A_8, %dot_general3A {dimension_numbers = #tpu.dot_dimension_numbers<[1], [0], [0], [1], [0, 0, 1, 1], [], []>, transpose_lhs_hint = false} : vector<1x128xf32>, vector<128x128xf32>, vector<1x128xf32> -> vector<1x128xf32>
    %swap3A = arith.constant 0 : index
    %swap3A_10 = arith.constant 0 : index
    %swap3A_11 = vector.load %arg2[%swap3A, %swap3A_10] : memref<1x128xf32, #tpu.memory_space<vmem>>, vector<1x128xf32>
    tpu.vector_store %arg2[%swap3A, %swap3A_10], %dot_general3A_9 {strides = array<i32>} : memref<1x128xf32, #tpu.memory_space<vmem>>, vector<1x128xf32>,
    return
  }
}

module attributes {stable_mosaic.version = 14 : i64} {
  func.func @_s_body(%arg0: memref<2500x128xf32, #tpu.memory_space<vmem>>, %arg1: memref<1x128xf32, #tpu.memory_space<smem>>, %arg2: memref<1x128xf32, #tpu.memory_space<vmem>>, %arg3: memref<2x128xf32, #tpu.memory_space<vmem>>) attributes {dimension_semantics = [], scalar_prefetch = 0 : i64, scratch_operands = 0 : i64, tpu.core_type = #tpu.core_type<tc>} {
    %get3A = arith.constant 0 : index
    %get3A_0 = arith.constant 0 : index
    %get3A_1 = vector.load %arg0[%get3A, %get3A_0] : memref<2500x128xf32, #tpu.memory_space<vmem>>, vector<2500x128xf32>
    %iota3A = tpu.iota {dimensions = array<i32: 1>} : vector<1x128xi32>
    %convert_element_type3A = arith.truncf %get3A_1 : vector<2500x128xf32> to vector<2500x128xbf16>
    %broadcast_in_dim3A = arith.constant 0.000000e+00 : f32
    %broadcast_in_dim3A_2 = vector.broadcast %broadcast_in_dim3A : f32 to vector<1x128xf32>
    %scan3A = arith.constant 0 : i32
    %scan3A_3 = arith.constant 128 : i32
    %scan3A_4 = arith.addi %scan3A, %scan3A_3 : i32
    %scan3A_5 = arith.constant 1 : i32
    %scan3A_6 = scf.for %scan3A_18 = %scan3A to %scan3A_4 step %scan3A_5 iter_args(%scan3A_19 = %broadcast_in_dim3A_2) -> (vector<1x128xf32>)  : i32 {
      %get3A_20 = arith.constant 0 : index
      %get3A_21 = arith.index_cast %scan3A_18 : i32 to index
      %get3A_22 = memref.load %arg1[%get3A_20, %get3A_21] : memref<1x128xf32, #tpu.memory_space<smem>>
      %convert_element_type3A_23 = arith.truncf %get3A_22 : f32 to bf16
      %mul3A = vector.broadcast %convert_element_type3A_23 : bf16 to vector<2500x128xbf16>
      %mul3A_24 = arith.mulf %convert_element_type3A, %mul3A : vector<2500x128xbf16>
      %exp3A = math.exp %mul3A_24 : vector<2500x128xbf16>
      %convert_element_type3A_25 = arith.extf %exp3A : vector<2500x128xbf16> to vector<2500x128xf32>
      %reduce_sum3A = vector.shape_cast %convert_element_type3A_25 : vector<2500x128xf32> to vector<1x2500x128xf32>
      %reduce_sum3A_26 = arith.constant dense<0.000000e+00> : vector<1xf32>
      %reduce_sum3A_27 = vector.multi_reduction <add>, %reduce_sum3A, %reduce_sum3A_26 [1, 2] : vector<1x2500x128xf32> to vector<1xf32>
      %reduce_sum3A_28 = vector.shape_cast %reduce_sum3A_27 : vector<1xf32> to vector<1x1x1xf32>
      %reduce_sum3A_29 = vector.extract %reduce_sum3A_28[0, 0, 0] : f32 from vector<1x1x1xf32>
      %eq3A = vector.broadcast %scan3A_18 : i32 to vector<1x128xi32>
      %eq3A_30 = arith.cmpi eq, %iota3A, %eq3A : vector<1x128xi32>
      %jit3A = arith.constant 0.000000e+00 : f32
      %broadcast_in_dim3A_31 = vector.broadcast %reduce_sum3A_29 : f32 to vector<1x128xf32>
      %broadcast_in_dim3A_32 = vector.broadcast %jit3A : f32 to vector<1x128xf32>
      %select_n3A = arith.select %eq3A_30, %broadcast_in_dim3A_31, %broadcast_in_dim3A_32 : vector<1x128xi1>, vector<1x128xf32>
      %add3A = arith.addf %scan3A_19, %select_n3A : vector<1x128xf32>
      scf.yield %add3A : vector<1x128xf32>
    }
    %scan3A_7 = arith.constant 128 : i32
    %get3A_8 = arith.constant 0 : index
    %get3A_9 = arith.constant 0 : index
    %get3A_10 = vector.load %arg2[%get3A_8, %get3A_9] : memref<1x128xf32, #tpu.memory_space<vmem>>, vector<1x128xf32>
    %swap3A = arith.constant 0 : index
    %swap3A_11 = arith.constant 0 : index
    %swap3A_12 = vector.load %arg3[%swap3A, %swap3A_11] : memref<2x128xf32, #tpu.memory_space<vmem>>, vector<1x128xf32>
    tpu.vector_store %arg3[%swap3A, %swap3A_11], %get3A_10 {strides = array<i32>} : memref<2x128xf32, #tpu.memory_space<vmem>>, vector<1x128xf32>,
    %log3A = math.log %scan3A_6 : vector<1x128xf32>
    %neg3A = arith.constant 0.000000e+00 : f32
    %neg3A_13 = vector.broadcast %neg3A : f32 to vector<1x128xf32>
    %neg3A_14 = arith.subf %neg3A_13, %log3A : vector<1x128xf32>
    %swap3A_15 = arith.constant 1 : index
    %swap3A_16 = arith.constant 0 : index
    %swap3A_17 = vector.load %arg3[%swap3A_15, %swap3A_16] : memref<2x128xf32, #tpu.memory_space<vmem>>, vector<1x128xf32>
    tpu.vector_store %arg3[%swap3A_15, %swap3A_16], %neg3A_14 {strides = array<i32>} : memref<2x128xf32, #tpu.memory_space<vmem>>, vector<1x128xf32>,
    return
  }
}

module attributes {stable_mosaic.version = 14 : i64} {
  func.func @_hlin_body(%arg0: memref<10000x128xf32, #tpu.memory_space<vmem>>, %arg1: memref<128x128xf32, #tpu.memory_space<vmem>>, %arg2: memref<1x128xf32, #tpu.memory_space<vmem>>, %arg3: memref<10000x128xf32, #tpu.memory_space<vmem>>) attributes {dimension_semantics = [], scalar_prefetch = 0 : i64, scratch_operands = 0 : i64, tpu.core_type = #tpu.core_type<tc>} {
    %get3A = arith.constant 0 : index
    %get3A_0 = arith.constant 0 : index
    %get3A_1 = vector.load %arg0[%get3A, %get3A_0] : memref<10000x128xf32, #tpu.memory_space<vmem>>, vector<10000x128xf32>
    %get3A_2 = arith.constant 0 : index
    %get3A_3 = arith.constant 0 : index
    %get3A_4 = vector.load %arg1[%get3A_2, %get3A_3] : memref<128x128xf32, #tpu.memory_space<vmem>>, vector<128x128xf32>
    %dot_general3A = arith.constant dense<0.000000e+00> : vector<10000x128xf32>
    %dot_general3A_5 = tpu.matmul %get3A_1, %get3A_4, %dot_general3A {dimension_numbers = #tpu.dot_dimension_numbers<[1], [0], [0], [1], [0, 0, 1, 1], [], []>, transpose_lhs_hint = false} : vector<10000x128xf32>, vector<128x128xf32>, vector<10000x128xf32> -> vector<10000x128xf32>
    %get3A_6 = arith.constant 0 : index
    %get3A_7 = arith.constant 0 : index
    %get3A_8 = vector.load %arg2[%get3A_6, %get3A_7] : memref<1x128xf32, #tpu.memory_space<vmem>>, vector<1x128xf32>
    %add3A = vector.broadcast %get3A_8 : vector<1x128xf32> to vector<10000x128xf32>
    %add3A_9 = arith.addf %dot_general3A_5, %add3A : vector<10000x128xf32>
    %swap3A = arith.constant 0 : index
    %swap3A_10 = arith.constant 0 : index
    %swap3A_11 = vector.load %arg3[%swap3A, %swap3A_10] : memref<10000x128xf32, #tpu.memory_space<vmem>>, vector<10000x128xf32>
    tpu.vector_store %arg3[%swap3A, %swap3A_10], %add3A_9 {strides = array<i32>} : memref<10000x128xf32, #tpu.memory_space<vmem>>, vector<10000x128xf32>,
    return
  }
}

module attributes {stable_mosaic.version = 14 : i64} {
  func.func @_final_body(%arg0: memref<10000x128xf32, #tpu.memory_space<vmem>>, %arg1: memref<2x10000x128xf32, #tpu.memory_space<vmem>>, %arg2: memref<128x128xf32, #tpu.memory_space<vmem>>, %arg3: memref<1x128xf32, #tpu.memory_space<vmem>>, %arg4: memref<128x128xf32, #tpu.memory_space<vmem>>, %arg5: memref<1x128xf32, #tpu.memory_space<vmem>>, %arg6: memref<1x128xf32, #tpu.memory_space<vmem>>, %arg7: memref<1x128xf32, #tpu.memory_space<vmem>>, %arg8: memref<10000x128xf32, #tpu.memory_space<vmem>>) attributes {dimension_semantics = [], scalar_prefetch = 0 : i64, scratch_operands = 0 : i64, tpu.core_type = #tpu.core_type<tc>} {
    %get3A = arith.constant 0 : index
    %get3A_0 = arith.constant 0 : index
    %get3A_1 = vector.load %arg0[%get3A, %get3A_0] : memref<10000x128xf32, #tpu.memory_space<vmem>>, vector<10000x128xf32>
    %get3A_2 = arith.constant 0 : index
    %get3A_3 = arith.constant 0 : index
    %get3A_4 = arith.constant 0 : index
    %get3A_5 = vector.load %arg1[%get3A_2, %get3A_3, %get3A_4] : memref<2x10000x128xf32, #tpu.memory_space<vmem>>, vector<1x10000x128xf32>
    %get3A_6 = vector.shape_cast %get3A_5 : vector<1x10000x128xf32> to vector<10000x128xf32>
    %add3A = arith.addf %get3A_1, %get3A_6 : vector<10000x128xf32>
    %get3A_7 = arith.constant 1 : index
    %get3A_8 = arith.constant 0 : index
    %get3A_9 = arith.constant 0 : index
    %get3A_10 = vector.load %arg1[%get3A_7, %get3A_8, %get3A_9] : memref<2x10000x128xf32, #tpu.memory_space<vmem>>, vector<1x10000x128xf32>
    %get3A_11 = vector.shape_cast %get3A_10 : vector<1x10000x128xf32> to vector<10000x128xf32>
    %add3A_12 = arith.addf %add3A, %get3A_11 : vector<10000x128xf32>
    %get3A_13 = arith.constant 0 : index
    %get3A_14 = arith.constant 0 : index
    %get3A_15 = vector.load %arg2[%get3A_13, %get3A_14] : memref<128x128xf32, #tpu.memory_space<vmem>>, vector<128x128xf32>
    %dot_general3A = arith.constant dense<0.000000e+00> : vector<10000x128xf32>
    %dot_general3A_16 = tpu.matmul %add3A_12, %get3A_15, %dot_general3A {dimension_numbers = #tpu.dot_dimension_numbers<[1], [0], [0], [1], [0, 0, 1, 1], [], []>, transpose_lhs_hint = false} : vector<10000x128xf32>, vector<128x128xf32>, vector<10000x128xf32> -> vector<10000x128xf32>
    %get3A_17 = arith.constant 0 : index
    %get3A_18 = arith.constant 0 : index
    %get3A_19 = vector.load %arg3[%get3A_17, %get3A_18] : memref<1x128xf32, #tpu.memory_space<vmem>>, vector<1x128xf32>
    %add3A_20 = vector.broadcast %get3A_19 : vector<1x128xf32> to vector<10000x128xf32>
    %add3A_21 = arith.addf %dot_general3A_16, %add3A_20 : vector<10000x128xf32>
    %max3A = arith.constant 0.000000e+00 : f32
    %max3A_22 = vector.broadcast %max3A : f32 to vector<10000x128xf32>
    %max3A_23 = arith.maximumf %add3A_21, %max3A_22 : vector<10000x128xf32>
    %get3A_24 = arith.constant 0 : index
    %get3A_25 = arith.constant 0 : index
    %get3A_26 = vector.load %arg4[%get3A_24, %get3A_25] : memref<128x128xf32, #tpu.memory_space<vmem>>, vector<128x128xf32>
    %dot_general3A_27 = arith.constant dense<0.000000e+00> : vector<10000x128xf32>
    %dot_general3A_28 = tpu.matmul %max3A_23, %get3A_26, %dot_general3A_27 {dimension_numbers = #tpu.dot_dimension_numbers<[1], [0], [0], [1], [0, 0, 1, 1], [], []>, transpose_lhs_hint = false} : vector<10000x128xf32>, vector<128x128xf32>, vector<10000x128xf32> -> vector<10000x128xf32>
    %get3A_29 = arith.constant 0 : index
    %get3A_30 = arith.constant 0 : index
    %get3A_31 = vector.load %arg5[%get3A_29, %get3A_30] : memref<1x128xf32, #tpu.memory_space<vmem>>, vector<1x128xf32>
    %add3A_32 = vector.broadcast %get3A_31 : vector<1x128xf32> to vector<10000x128xf32>
    %add3A_33 = arith.addf %dot_general3A_28, %add3A_32 : vector<10000x128xf32>
    %reduce_sum3A = arith.constant dense<0.000000e+00> : vector<128xf32>
    %reduce_sum3A_34 = vector.multi_reduction <add>, %add3A_33, %reduce_sum3A [0] : vector<10000x128xf32> to vector<128xf32>
    %broadcast_in_dim3A = vector.shape_cast %reduce_sum3A_34 : vector<128xf32> to vector<1x128xf32>
    %div3A = arith.constant 1.000000e+04 : f32
    %div3A_35 = vector.broadcast %div3A : f32 to vector<1x128xf32>
    %div3A_36 = arith.divf %broadcast_in_dim3A, %div3A_35 : vector<1x128xf32>
    %sub3A = vector.broadcast %div3A_36 : vector<1x128xf32> to vector<10000x128xf32>
    %sub3A_37 = arith.subf %add3A_33, %sub3A : vector<10000x128xf32>
    %sub3A_38 = vector.broadcast %div3A_36 : vector<1x128xf32> to vector<10000x128xf32>
    %sub3A_39 = arith.subf %add3A_33, %sub3A_38 : vector<10000x128xf32>
    %mul3A = arith.mulf %sub3A_37, %sub3A_39 : vector<10000x128xf32>
    %reduce_sum3A_40 = arith.constant dense<0.000000e+00> : vector<128xf32>
    %reduce_sum3A_41 = vector.multi_reduction <add>, %mul3A, %reduce_sum3A_40 [0] : vector<10000x128xf32> to vector<128xf32>
    %broadcast_in_dim3A_42 = vector.shape_cast %reduce_sum3A_41 : vector<128xf32> to vector<1x128xf32>
    %div3A_43 = arith.constant 1.000000e+04 : f32
    %div3A_44 = vector.broadcast %div3A_43 : f32 to vector<1x128xf32>
    %div3A_45 = arith.divf %broadcast_in_dim3A_42, %div3A_44 : vector<1x128xf32>
    %sub3A_46 = vector.broadcast %div3A_36 : vector<1x128xf32> to vector<10000x128xf32>
    %sub3A_47 = arith.subf %add3A_33, %sub3A_46 : vector<10000x128xf32>
    %add3A_48 = arith.constant 9.99999974E-6 : f32
    %add3A_49 = vector.broadcast %add3A_48 : f32 to vector<1x128xf32>
    %add3A_50 = arith.addf %div3A_45, %add3A_49 : vector<1x128xf32>
    %sqrt3A = math.sqrt %add3A_50 : vector<1x128xf32>
    %div3A_51 = vector.broadcast %sqrt3A : vector<1x128xf32> to vector<10000x128xf32>
    %div3A_52 = arith.divf %sub3A_47, %div3A_51 : vector<10000x128xf32>
    %get3A_53 = arith.constant 0 : index
    %get3A_54 = arith.constant 0 : index
    %get3A_55 = vector.load %arg6[%get3A_53, %get3A_54] : memref<1x128xf32, #tpu.memory_space<vmem>>, vector<1x128xf32>
    %mul3A_56 = vector.broadcast %get3A_55 : vector<1x128xf32> to vector<10000x128xf32>
    %mul3A_57 = arith.mulf %div3A_52, %mul3A_56 : vector<10000x128xf32>
    %get3A_58 = arith.constant 0 : index
    %get3A_59 = arith.constant 0 : index
    %get3A_60 = vector.load %arg7[%get3A_58, %get3A_59] : memref<1x128xf32, #tpu.memory_space<vmem>>, vector<1x128xf32>
    %add3A_61 = vector.broadcast %get3A_60 : vector<1x128xf32> to vector<10000x128xf32>
    %add3A_62 = arith.addf %mul3A_57, %add3A_61 : vector<10000x128xf32>
    %max3A_63 = arith.constant 0.000000e+00 : f32
    %max3A_64 = vector.broadcast %max3A_63 : f32 to vector<10000x128xf32>
    %max3A_65 = arith.maximumf %add3A_62, %max3A_64 : vector<10000x128xf32>
    %swap3A = arith.constant 0 : index
    %swap3A_66 = arith.constant 0 : index
    %swap3A_67 = vector.load %arg8[%swap3A, %swap3A_66] : memref<10000x128xf32, #tpu.memory_space<vmem>>, vector<10000x128xf32>
    tpu.vector_store %arg8[%swap3A, %swap3A_66], %max3A_65 {strides = array<i32>} : memref<10000x128xf32, #tpu.memory_space<vmem>>, vector<10000x128xf32>,
    return
  }
}

</mosaic_0001>

<sc_bundles>
// kernel: kernel.7.cloned.1.call-start
scs
__scs_entry_jumppad:
0x0: {  	(pc) =	sbr.rel $0x88, $3  }
0x1: {  	(tag) =	ssettag $0x0;
	lr =	simm.s32 $0x1  }
0x2: {  	[smem:$0x3F94] =	sst lr;
	_ =	strace $0xD0000000  }
0x3: {  	_ = 	snop  }
0x4: {  	_ = 	snop  }
0x5: {  	_ = 	snop  }
0x6: {  	_ = 	snop  }
0x7: {  	_ = 	snop  }
__scs_overlays_trampoline_lowered:
0x8: {  	[smem:$0x3FA3] =	sst s0  }
0x9: {  	[smem:$0x3FA4] =	sst s1  }
0xa: {  	[smem:$0x3FA5] =	sst s2  }
0xb: {  	[smem:$0x3FA6] =	sst s3  }
0xc: {  	[smem:$0x3FA7] =	sst s4  }
0xd: {  	[smem:$0x3FA8] =	sst s5  }
0xe: {  	[smem:$0x3FA9] =	sst s6  }
0xf: {  	[smem:$0x3FAA] =	sst s7  }
0x10: {  	[smem:$0x3FAB] =	sst s8  }
0x11: {  	[smem:$0x3FAC] =	sst s9;
	s0 =	simm.s32 @!p0 $0x0  }
0x12: {  	s1 =	sld [smem:$0x3F92];
	s0 =	simm.s32 @p0 $0x1  }
0x13: {  	[smem:$0x3FAD] =	sst s0;
	s0 =	simm.s32 @!p1 $0x0  }
0x14: {  	s2 =	sld [smem:$0x3F91];
	s0 =	simm.s32 @p1 $0x1  }
0x15: {  	[smem:$0x3FAE] =	sst s0;
	s0 =	simm.s32 @!p2 $0x0  }
0x16: {  	s3 =	sld [smem:$0x3FDB];
	s0 =	simm.s32 @p2 $0x1  }
0x17: {  	s4 =	simm.s32 $0x1BF5;
	[smem:$0x3FB0] =	sst s0  }
0x18: {  	s0 =	sld [smem:$0x3F93];
	_ =	swait.ge [sflag:s4], $0x0  }
0x19: {  	s7 =	sld [smem:$0x3F94]  }
0x1a: {  	s8 =	sadd.s32 $0xFFFFE003, lr  }
0x1b: {  	s9 =	sadd.s32 $0xFFFFFEF7, lr;
	s5 =	simm.s32 $0xFFFFFFFF;
	p2 =	slt.u32 s8, $0xFFFFF086  }
0x1c: {  	p1 =	slt.u32 s9, $0xF7A;
	s5 =	simm.s32 @!p2 $0x0  }
0x1d: {  	s5 =	simm.s32 @p1 $0x1;
	p0 =	seq.s32 s7, s2  }
0x1e: {  	s7 =	smul.u32 @!p0 $0xF7A, s2;
	p2 =	seq.s32 @!p0 s5, $0x0  }
0x1f: {  	s9 =	smul.u32 $0xF7A, s1;
	s8 =	simm.s32 @!p0 $0x1BF5;
	p2 =	por !p2, p0  }
0x20: {  	[sflag:s8] =	ssyncset.s32 @!p0 $0xFFFFF086;
	s6 =	sadd.s32 @!p0 s3, s7;
	s7 =	simm.s32 @!p0 $0x108  }
0x21: {  	s3 =	sadd.s32 s3, s9;
	s6 =	sadd.s32 @!p0 $0x88, s6;
	s7 =	simm.s32 @p2 $0x1082  }
0x22: {  	[simem:s7], [sflag:s8] =	dma.local @!p0 [hbm:s6], $0xF7A  }
0x23: {  	s9 =	sor.u32 $0xD0000000, s2;
	s6 =	simm.s32 $0x108;
	_ =	swait.ge @!p0 [sflag:s8], $0x0  }
0x24: {  	s3 =	sadd.s32 $0x88, s3;
	s6 =	simm.s32 @!p1 $0x1082;
	[sflag:s4] =	ssyncset.s32 $0xFFFFF086  }
0x25: {  	[simem:s6], [sflag:s4] =	dma.local [hbm:s3], $0xF7A  }
0x26: {  	[smem:$0x3F94] =	sst s1;
	(tag) =	ssettag s2;
	_ =	strace s9  }
0x27: {  	s1 =	sld [smem:$0x3FA4]  }
0x28: {  	s2 =	sld [smem:$0x3FA5]  }
0x29: {  	s4 =	sld [smem:$0x3FA7]  }
0x2a: {  	p0 =	seq.s32 s5, $0x0;
	s5 =	sld [smem:$0x3FA8]  }
0x2b: {  	s6 =	sld [smem:$0x3FA9]  }
0x2c: {  	s7 =	sld [smem:$0x3FAA]  }
0x2d: {  	s3 =	simm.s32 $0x108;
	s8 =	sld [smem:$0x3FAB]  }
0x2e: {  	s3 =	simm.s32 @!p0 $0x1082;
	s9 =	sld [smem:$0x3FAC]  }
0x2f: {  	lr =	sadd.s32 s0, s3;
	s0 =	sld [smem:$0x3FA3]  }
0x30: {  	s3 =	sld [smem:$0x3FA6]  }
0x31: {  	[smem:$0x3FAF] =	sst s10  }
0x32: {  	s10 =	sld [smem:$0x3FAD];
	_ =	sdelay $0x3  }
0x33: {  	p0 =	seq.s32 s10, $0x1;
	s10 =	sld [smem:$0x3FAF];
	_ =	sdelay $0x3  }
0x34: {  	[smem:$0x3FAF] =	sst s10  }
0x35: {  	s10 =	sld [smem:$0x3FAE];
	_ =	sdelay $0x3  }
0x36: {  	p1 =	seq.s32 s10, $0x1;
	s10 =	sld [smem:$0x3FAF];
	_ =	sdelay $0x3  }
0x37: {  	[smem:$0x3FAF] =	sst s10  }
0x38: {  	s10 =	sld [smem:$0x3FB0]  }
0x39: {  	_ = 	snop;
	(pc) =	sbr.ind lr, $3  }
0x3a: {  	_ = 	snop  }
0x3b: {  	_ = 	snop  }
0x3c: {  	p2 =	seq.s32 s10, $0x1;
	s10 =	sld [smem:$0x3FAF]  }
0x3d: {  	_ =	shalt  }
0x3e: {  	_ =	shalt  }
0x3f: {  	_ =	shalt  }
0x40: {  	_ =	shalt  }
0x41: {  	_ =	shalt  }
0x42: {  	_ =	shalt  }
0x43: {  	_ =	shalt  }
0x44: {  	_ =	shalt  }
0x45: {  	_ =	shalt  }
0x46: {  	_ =	shalt  }
0x47: {  	_ =	shalt  }
0x48: {  	_ =	shalt  }
0x49: {  	_ =	shalt  }
0x4a: {  	_ =	shalt  }
0x4b: {  	_ =	shalt  }
0x4c: {  	_ =	shalt  }
0x4d: {  	_ =	shalt  }
0x4e: {  	_ =	shalt  }
0x4f: {  	_ =	shalt  }
0x50: {  	_ =	shalt  }
0x51: {  	_ =	shalt  }
0x52: {  	_ =	shalt  }
0x53: {  	_ =	shalt  }
0x54: {  	_ =	shalt  }
0x55: {  	_ =	shalt  }
0x56: {  	_ =	shalt  }
0x57: {  	_ =	shalt  }
0x58: {  	_ =	shalt  }
0x59: {  	_ =	shalt  }
0x5a: {  	_ =	shalt  }
0x5b: {  	_ =	shalt  }
0x5c: {  	_ =	shalt  }
0x5d: {  	_ =	shalt  }
0x5e: {  	_ =	shalt  }
0x5f: {  	_ =	shalt  }
0x60: {  	_ =	shalt  }
0x61: {  	_ =	shalt  }
0x62: {  	_ =	shalt  }
0x63: {  	_ =	shalt  }
0x64: {  	_ =	shalt  }
0x65: {  	_ =	shalt  }
0x66: {  	_ =	shalt  }
0x67: {  	_ =	shalt  }
0x68: {  	_ =	shalt  }
0x69: {  	_ =	shalt  }
0x6a: {  	_ =	shalt  }
0x6b: {  	_ =	shalt  }
0x6c: {  	_ =	shalt  }
0x6d: {  	_ =	shalt  }
0x6e: {  	_ =	shalt  }
0x6f: {  	_ =	shalt  }
0x70: {  	_ =	shalt  }
0x71: {  	_ =	shalt  }
0x72: {  	_ =	shalt  }
0x73: {  	_ =	shalt  }
0x74: {  	_ =	shalt  }
0x75: {  	_ =	shalt  }
0x76: {  	_ =	shalt  }
0x77: {  	_ =	shalt  }
0x78: {  	_ =	shalt  }
0x79: {  	_ =	shalt  }
0x7a: {  	_ =	shalt  }
0x7b: {  	_ =	shalt  }
0x7c: {  	_ =	shalt  }
0x7d: {  	_ =	shalt  }
0x7e: {  	_ =	shalt  }
0x7f: {  	_ =	shalt  }
0x80: {  	_ =	shalt  }
0x81: {  	_ =	shalt  }
0x82: {  	_ =	shalt  }
0x83: {  	_ =	shalt  }
0x84: {  	_ =	shalt  }
0x85: {  	_ =	shalt  }
0x86: {  	_ =	shalt  }
0x87: {  	_ =	shalt  }
.Lfunc_end0:
.L_simem_size_0:
called_computation_lowered:
.L_overlay_start_0:
0x88: {  	s2 =	sld [smem:$0x3FD9]  }
0x89: {  	s3 =	sld [smem:$0x3FFE];
	_ =	sdelay $0x1  }
0x8a: {  	s1 =	srdreg.scid  }
0x8b: {  	s0 =	sand.u32 $0x1, s1  }
0x8c: {  	s17 =	sshll.u32 s0, $0xA;
	s2 =	sadd.s32 s3, s2  }
0x8d: {  	s2 =	sadd.s32 s2, s17  }
0x8e: {  	[smem:$0x3FBB] =	sst s2  }
0x8f: {  	_ = 	snop  }
0x90: {  	s2 =	sld [smem:$0x3FD0];
	(tm) =	ssettm $0x1  }
0x91: {  	s18 =	sld [smem:$0x3FFB];
	_ =	sdelay $0x3  }
0x92: {  	_ =	strace s18  }
0x93: {  	s3 =	sld [smem:$0x3FFC];
	_ =	sdelay $0x3  }
0x94: {  	_ =	strace s3  }
0x95: {  	s3 =	sld [smem:$0x3FFD];
	_ =	sdelay $0x3  }
0x96: {  	_ =	strace s3  }
0x97: {  	_ =	strace $0x8FFFFFFF  }
0x98: {  	s19 =	sld [smem:$0x3FDB];
	_ =	sdelay $0x1  }
0x99: {  	s4 =	simm.s32 $_scs_section_size  }
0x9a: {  	s5 =	simm.s32 $_size__tile_overlayer_lowered;
	s6 =	simm.s32 $_tile_overlayer_lowered  }
0x9b: {  	s22 =	simm.s32 $0x1BFF;
	s21 =	sshll.u32 s6, $0x1;
	s3 =	sadd.s32 s4, s19  }
0x9c: {  	s7 =	simm.s32 $0x0;
	s20 =	sshll.u32 s5, $0x1;
	s5 =	sadd.s32 s21, s3  }
0x9d: {  	[timem:s7], [sflag:s22] =	dma.local [hbm:s5], s20  }
0x9e: {  	_ =	swait.ge [sflag:s22], s20  }
0x9f: {  	s4 =	ssub.s32 $0x0, s20;
	[sflag:s22] =	ssyncset.done $0x0  }
0xa0: {  	[sflag:s22] =	ssyncadd.s32 s4;
	_ =	sdelay $0x1  }
0xa1: {  	s23 =	simm.s32 $0x1B8B  }
0xa2: {  	_ =	swait.ge [sflag:s23], $0x1  }
0xa3: {  	[sflag:s23] =	ssyncset.done $0x0  }
0xa4: {  	s25 =	simm.s32 $0x1B8E;
	s24 =	sld [smem:$0x3FFE];
	[sflag:s23] =	ssyncadd.s32 $0xFFFFFFFF  }
0xa5: {  	s26 =	simm.s32 $execute0_lowered;
	[smem:$0x3FD2] =	sst s25  }
0xa6: {  	s5 =	sshll.u32 s26, $0x1;
	_ =	strace $0x80000046;
	[dreg:$0x1] =	wrdreg $0xFFFFFFFF  }
0xa7: {  	s28 =	simm.s32 $_size_execute0_lowered;
	s3 =	sadd.s32 s3, s5;
	[dreg:$0x0] =	wrdreg $0x0  }
0xa8: {  	s5 =	sshll.u32 s28, $0x1;
	[dreg:$0x2] =	wrdreg s3  }
0xa9: {  	[dreg:$0x3] =	wrdreg s5  }
0xaa: {  	[dreg:$0x4] =	wrdreg $0xC0  }
0xab: {  	_ =	task [dreg:s7], $0x5FFFF  }
0xac: {  	[dreg:$0x1] =	wrdreg $0xFFFFFFFF  }
0xad: {  	[dreg:$0x0] =	wrdreg $0x60  }
0xae: {  	[dreg:$0x2] =	wrdreg s2  }
0xaf: {  	[dreg:$0x3] =	wrdreg s24  }
0xb0: {  	[dreg:$0x4] =	wrdreg $0x0  }
0xb1: {  	[dreg:$0x5] =	wrdreg $0x9  }
0xb2: {  	_ =	task.clear_ibuf [dreg:s7], $0x6FFFF;
	_ =	strace $0x90000046  }
0xb3: {  	s29 =	simm.s32 $0x9;
	_ =	strace $0x80000048  }
0xb4: {  	_ =	swait.ge [sflag:s29], $0x1  }
0xb5: {  	[sflag:s29] =	ssyncadd.s32 $0xFFFFFFFF  }
0xb6: {  	_ =	strace $0x90000048  }
0xb7: {  	_ =	sfence  }
0xb8: {  	s30 =	sld [smem:$0x0];
	_ =	sdelay $0x2  }
0xb9: {  	s31 =	sshll.u32 s1, $0xD;
	s1 =	sshrl.u32 s1, $0x2  }
0xba: {  	s3 =	sand.u32 $0x4000, s31;
	s1 =	sadd.s32 s1, s30  }
0xbb: {  	s0 =	sor.u32 s3, s0;
	s1 =	sshll.u32 s1, $0x11  }
0xbc: {  	s0 =	sor.u32 s1, s0  }
0xbd: {  	s0 =	sadd.s32 $0x8F2B, s0  }
0xbe: {  	[sflag:s0] =	ssyncadd.remote.s32 $0x1  }
0xbf: {  	_ =	sfence.sel $0xFFFF  }
0xc0: {  	[dreg:$0x0] =	wrdreg $0xFFFFFFFF;
	(pc) =	sbr.abs _section_cstart, $3  }
0xc1: {  	[dreg:$0x1] =	wrdreg $0xFFFFFFFF  }
0xc2: {  	_ =	task.clear_ibuf [dreg:s7], $0x2FFFF;
	_ =	strace $0x9FFFFFFF  }
0xc3: {  	(tm) =	ssettm $0x7FFFFFFF  }
tec
execute0_lowered:
.L_overlay_start_1:
0x0: {  	(tag) =	ssettag $0x1  }
0x1: {  	s1 =	rddreg [dreg:$0x0]  }
0x2: {  	s0 =	rddreg [dreg:$0x1]  }
0x3: {  	s2 =	rddreg [dreg:$0x2];
	s4 =	srdreg.scid  }
0x4: {  	s3 =	simm.s32 $0x0;
	s21 =	stileid.u32;
	s28 =	simm.s32 $0x4  }
0x5: {  	s29 =	simm.s32 $0x6;
	s4 =	sand.u32 $0x1, s4;
	s12 =	smul.u32 $0x2800, s21  }
0x6: {  	s31 =	simm.s32 $0x8;
	s9 =	sor.u32 $0x10, s21;
	s8 =	smul.u32 $0x138800, s4  }
0x7: {  	[smem:$0x7FF] =	sst s3;
	s10 =	sor.u32 $0x20, s21;
	s13 =	smul.u32 $0x2800, s9  }
0x8: {  	s6 =	sadd.s32 $0x20400, s0;
	s11 =	sor.u32 $0x30, s21;
	s15 =	smul.u32 $0x2800, s10  }
0x9: {  	s14 =	sor.u32 $0x40, s21;
	s16 =	sor.u32 $0x50, s21;
	s18 =	smul.u32 $0x2800, s11  }
0xa: {  	s17 =	sor.u32 $0x60, s21;
	s19 =	sor.u32 $0x70, s21;
	s24 =	smul.u32 $0x2800, s14  }
0xb: {  	s5 =	ssub.s32 $0x2, s4;
	_ =	strace $0x80000047;
	s20 =	smul.u32 $0x2800, s16  }
0xc: {  	s25 =	sshll.u32 s4, $0x4;
	s4 =	smul.u32 $0x27100, s4;
	s7 =	sshrl.u32 s5, $0x1  }
0xd: {  	p0 =	sgt.u32 s19, $0x7C;
	s5 =	ssub.s32 s5, s7;
	s7 =	sor.u32 s21, s25  }
0xe: {  	s12 =	sadd.s32 s8, s12;
	s13 =	sadd.s32 s8, s13;
	s22 =	sadd.s32 s8, s15  }
0xf: {  	s23 =	sadd.s32 s8, s18;
	s18 =	smul.u32 $0x2800, s17;
	s12 =	sshrl.u32 s12, $0x3  }
0x10: {  	s26 =	sshrl.u32 s13, $0x3;
	s13 =	sshrl.u32 s22, $0x3;
	s15 =	sshrl.u32 s23, $0x3  }
0x11: {  	s5 =	smax.u32 s5, $0x1;
	s12 =	sadd.s32 s6, s12;
	s25 =	sadd.s32 s6, s13  }
0x12: {  	s13 =	sadd.s32 s8, s24;
	s24 =	smul.u32 $0x2710, s21;
	[dreg:$0x10] =	wrdreg s5  }
0x13: {  	s23 =	sadd.s32 s8, s18;
	s18 =	smul.u32 $0xA000, s21;
	[dreg:$0x4] =	wrdreg s12  }
0x14: {  	s12 =	sadd.s32 s6, s26;
	[dreg:$0x6] =	wrdreg s25;
	s26 =	sadd.s32 s6, s15  }
0x15: {  	s15 =	sadd.s32 s8, s20;
	s20 =	smul.u32 $0x2800, s19;
	[dreg:$0x5] =	wrdreg s12  }
0x16: {  	s25 =	smul.u32 $0x2710, s7;
	[dreg:$0x7] =	wrdreg s26;
	s12 =	sshrl.u32 s13, $0x3  }
0x17: {  	s13 =	sshrl.u32 s15, $0x3;
	s4 =	sadd.s32 s24, s4;
	s26 =	sadd.s32 $0x1FC00, s0  }
0x18: {  	s15 =	sadd.s32 $0x2400, s0;
	s24 =	smul.u32 $0xA000, s11;
	s12 =	sadd.s32 s6, s12  }
0x19: {  	s22 =	sadd.s32 s6, s13;
	s8 =	sadd.s32 s8, s20;
	s13 =	sadd.s32 $0x15E00, s0  }
0x1a: {  	[dreg:$0xc] =	wrdreg s26;
	s0 =	sadd.s32 $0x1FE00, s0;
	s20 =	smul.u32 $0xA000, s9  }
0x1b: {  	s26 =	sshll.u32 s21, $0x6;
	s21 =	sadd.s32 $0xA0, s4;
	[dreg:$0x8] =	wrdreg s12  }
0x1c: {  	[dreg:$0x9] =	wrdreg s22;
	s12 =	sshrl.u32 s23, $0x3;
	s8 =	sshrl.u32 s8, $0x3  }
0x1d: {  	[dreg:$0xd] =	wrdreg s0;
	s22 =	sshrl.u32 s18, $0x2;
	s23 =	smul.u32 $0xA000, s10  }
0x1e: {  	s18 =	sor.u32 $0x1C0B, s26;
	s10 =	smul.u32 $0xA000, s16;
	s12 =	sadd.s32 s6, s12  }
0x1f: {  	s6 =	sadd.s32 s6, s8;
	s8 =	sshrl.u32 s25, $0x3;
	s25 =	smul.u32 $0xA000, s14  }
0x20: {  	[dreg:$0x1a] =	wrdreg s21;
	s21 =	simm.s32 $0x0;
	s14 =	smul.u32 $0xA000, s17  }
0x21: {  	s5 =	sadd.s32 s22, s2;
	s17 =	smul.u32 $0xA000, s19;
	[dreg:$0x12] =	wrdreg s18  }
0x22: {  	s19 =	sadd.s32 $0x4E2A0, s4;
	s22 =	sadd.s32 $0xF0, s4;
	[dreg:$0xa] =	wrdreg s12  }
0x23: {  	[dreg:$0xb] =	wrdreg s6;
	s12 =	sadd.s32 s15, s8;
	s0 =	sadd.s32 s13, s8  }
0x24: {  	[dreg:$0x11] =	wrdreg s5;
	s6 =	sshrl.u32 s23, $0x2;
	s8 =	sshrl.u32 s24, $0x2  }
0x25: {  	s16 =	sshrl.u32 s10, $0x2;
	s23 =	sadd.s32 $0x50, s4;
	s4 =	sadd.s32 $0x4E250, s4  }
0x26: {  	s10 =	simm.s32 $0x13A00;
	[dreg:$0xf] =	wrdreg s0;
	s0 =	sshrl.u32 s20, $0x2  }
0x27: {  	s6 =	sadd.s32 s6, s2;
	s9 =	sshrl.u32 s25, $0x2;
	s5 =	sadd.s32 s16, s2  }
0x28: {  	s20 =	sshrl.u32 s17, $0x2;
	s24 =	sshrl.u32 s4, $0x3;
	[dreg:$0xe] =	wrdreg s12  }
0x29: {  	s25 =	sadd.s32 $0xA, s12;
	s26 =	sadd.s32 $0x9C40, s12;
	[dreg:$0x14] =	wrdreg s6  }
0x2a: {  	s12 =	simm.s32 $0x50;
	s17 =	simm.s32 $0x2;
	[dreg:$0x17] =	wrdreg s5  }
0x2b: {  	s0 =	sadd.s32 s0, s2;
	s11 =	sadd.s32 s9, s2;
	[dreg:$0x1b] =	wrdreg s25  }
0x2c: {  	s5 =	sshrl.u32 s19, $0x3;
	[dreg:$0x1c] =	wrdreg s26;
	s9 =	simm.s32 $0x13980  }
0x2d: {  	s19 =	simm.s32 $0x18B80;
	s25 =	simm.s32 $0x18B00;
	s26 =	simm.s32 $0x18C00  }
0x2e: {  	s6 =	simm.s32 $0x9;
	[dreg:$0x13] =	wrdreg s0;
	s0 =	sadd.s32 s8, s2  }
0x2f: {  	[dreg:$0x16] =	wrdreg s11;
	s30 =	sadd.s32 s5, s15;
	s5 =	sshrl.u32 s23, $0x3  }
0x30: {  	s8 =	simm.s32 $0xB;
	s11 =	simm.s32 $0x1;
	s23 =	simm.s32 $0x7  }
.Ltmp0:
0x31: {  	[dreg:$0x15] =	wrdreg s0;
	s0 =	sshrl.u32 s14, $0x2;
	(pc) =	sbr.rel .LBB2_1-.Ltmp0, $4  }
0x32: {  	s4 =	sadd.s32 s5, s13;
	s5 =	sadd.s32 s24, s15;
	s0 =	sadd.s32 s0, s2  }
0x33: {  	s14 =	simm.s32 $0x13A80;
	[dreg:$0x18] =	wrdreg s0;
	s0 =	sadd.s32 s20, s2  }
0x34: {  	s24 =	simm.s32 $0x16280;
	[dreg:$0x19] =	wrdreg s0;
	s0 =	sshrl.u32 s22, $0x3  }
0x35: {  	s20 =	simm.s32 $0x3;
	s22 =	simm.s32 $0x5;
	s0 =	sadd.s32 s0, s15  }
.LBB2_4:
0x36: {  	[spmem:s2] =	stream.indirect.scatter.add.f32 [tilespmem:s24], [sflag:$0xA], $0x80, s26, s12, $0xb8;
	[tilespmem:$0x18C80] =	vst v63  }
0x37: {  	_ =	swait.ge [sflag:s20], $0x2800  }
0x38: {  	[sflag:s20] =	ssyncset.done $0x0  }
0x39: {  	[sflag:s20] =	ssyncadd.s32 $0xFFFFD800  }
0x3a: {  	_ =	swait.ge [sflag:s22], $0x50  }
0x3b: {  	[sflag:s22] =	ssyncset.done $0x0  }
0x3c: {  	[sflag:s22] =	ssyncadd.s32 $0xFFFFFFB0  }
0x3d: {  	_ =	swait.ge [sflag:s23], $0x50  }
0x3e: {  	[sflag:s23] =	ssyncset.done $0x0  }
0x3f: {  	s7 =	simm.s32 $0xA;
	[sflag:s23] =	ssyncadd.s32 $0xFFFFFFB0  }
0x40: {  	_ =	swait.ge [sflag:s7], $0x2800  }
0x41: {  	[sflag:s7] =	ssyncset.done $0x0  }
0x42: {  	[sflag:s7] =	ssyncadd.s32 $0xFFFFD800  }
0x43: {  	[spmem:s2] =	stream.indirect.scatter.add.f32 [tilespmem:s14], [sflag:$0x9], $0x80, s19, s12, $0xb8;
	[tilespmem:$0x18C80] =	vst v63  }
0x44: {  	_ =	swait.ge [sflag:s6], $0x2800  }
0x45: {  	[sflag:s6] =	ssyncset.done $0x0  }
0x46: {  	[sflag:s6] =	ssyncadd.s32 $0xFFFFD800  }
0x47: {  	[bflag:$0x0] =	sbarrier.arrive $0xFFFF  }
0x48: {  	s21 =	rddreg [dreg:$0x4]  }
0x49: {  	s18 =	rddreg [dreg:$0x12]  }
0x4a: {  	s16 =	rddreg [dreg:$0x1e]  }
0x4b: {  	[hbm:s21], [sflag:s18] =	dma.local [spmem:s16], $0x500  }
0x4c: {  	_ =	swait.ge [sflag:s8], $0x500  }
0x4d: {  	[sflag:s8] =	ssyncset.done $0x0;
	s16 =	rddreg [dreg:$0x5]  }
0x4e: {  	s21 =	rddreg [dreg:$0x1f];
	[sflag:s8] =	ssyncadd.s32 $0xFFFFFB00  }
0x4f: {  	[hbm:s16], [sflag:s18] =	dma.local [spmem:s21], $0x500  }
0x50: {  	_ =	swait.ge [sflag:s8], $0x500  }
0x51: {  	s21 =	sld [smem:$0x7F8]  }
0x52: {  	[sflag:s8] =	ssyncset.done $0x0  }
0x53: {  	s16 =	rddreg [dreg:$0x6];
	[sflag:s8] =	ssyncadd.s32 $0xFFFFFB00  }
0x54: {  	[hbm:s16], [sflag:s18] =	dma.local [spmem:s21], $0x500  }
0x55: {  	_ =	swait.ge [sflag:s8], $0x500  }
0x56: {  	s21 =	sld [smem:$0x7F9]  }
0x57: {  	[sflag:s8] =	ssyncset.done $0x0  }
0x58: {  	s16 =	rddreg [dreg:$0x7];
	[sflag:s8] =	ssyncadd.s32 $0xFFFFFB00  }
0x59: {  	[hbm:s16], [sflag:s18] =	dma.local [spmem:s21], $0x500  }
0x5a: {  	_ =	swait.ge [sflag:s8], $0x500  }
0x5b: {  	s21 =	sld [smem:$0x7FA]  }
0x5c: {  	[sflag:s8] =	ssyncset.done $0x0  }
0x5d: {  	s16 =	rddreg [dreg:$0x8];
	[sflag:s8] =	ssyncadd.s32 $0xFFFFFB00  }
0x5e: {  	[hbm:s16], [sflag:s18] =	dma.local [spmem:s21], $0x500  }
0x5f: {  	_ =	swait.ge [sflag:s8], $0x500  }
0x60: {  	s21 =	sld [smem:$0x7FB]  }
0x61: {  	[sflag:s8] =	ssyncset.done $0x0  }
0x62: {  	s16 =	rddreg [dreg:$0x9];
	[sflag:s8] =	ssyncadd.s32 $0xFFFFFB00  }
0x63: {  	[hbm:s16], [sflag:s18] =	dma.local [spmem:s21], $0x500  }
0x64: {  	_ =	swait.ge [sflag:s8], $0x500  }
0x65: {  	s21 =	sld [smem:$0x7FC]  }
0x66: {  	[sflag:s8] =	ssyncset.done $0x0  }
0x67: {  	s16 =	rddreg [dreg:$0xa];
	[sflag:s8] =	ssyncadd.s32 $0xFFFFFB00  }
0x68: {  	[hbm:s16], [sflag:s18] =	dma.local [spmem:s21], $0x500  }
0x69: {  	_ =	swait.ge [sflag:s8], $0x500  }
0x6a: {  	s16 =	sld [smem:$0x7FD]  }
0x6b: {  	[sflag:s8] =	ssyncset.done $0x0  }
0x6c: {  	s7 =	rddreg [dreg:$0xb];
	[sflag:s8] =	ssyncadd.s32 $0xFFFFFB00  }
0x6d: {  	[hbm:s7], [sflag:s18] =	dma.local @!p0 [spmem:s16], $0x500  }
0x6e: {  	s7 =	simm.s32 @!p0 $0xB  }
0x6f: {  	_ =	swait.ge @!p0 [sflag:s7], $0x500  }
0x70: {  	s21 =	rddreg [dreg:$0x1d]  }
0x71: {  	s16 =	rddreg [dreg:$0x10];
	s21 =	sadd.s32 $0x1, s21  }
0x72: {  	p1 =	sne.s32 s21, s16  }
.Ltmp1:
0x73: {  	_ = 	snop;
	(pc) =	sbr.rel @!p1 .LBB2_5-.Ltmp1, $3  }
0x74: {  	_ =	sdelay $0x1  }
0x75: {  	[sflag:s7] =	ssyncset.done @!p0 $0x0  }
0x76: {  	[sflag:s7] =	ssyncadd.s32 @!p0 $0xFFFFFB00  }
.LBB2_1:
0x77: {  	[dreg:$0x1d] =	wrdreg s21  }
0x78: {  	s7 =	rddreg [dreg:$0x11]  }
0x79: {  	s16 =	sshrl.u32 s7, $0x3;
	s7 =	rddreg [dreg:$0xd]  }
0x7a: {  	[dreg:$0x1e] =	wrdreg s16  }
0x7b: {  	[spmem:s16], [sflag:s18] =	dma.local [hbm:s7], $0x500  }
0x7c: {  	_ =	swait.ge [sflag:s8], $0x500  }
0x7d: {  	s21 =	rddreg [dreg:$0x13]  }
0x7e: {  	[sflag:s8] =	ssyncset.done $0x0;
	s16 =	sshrl.u32 s21, $0x3  }
0x7f: {  	[sflag:s8] =	ssyncadd.s32 $0xFFFFFB00;
	[dreg:$0x1f] =	wrdreg s16  }
0x80: {  	[spmem:s16], [sflag:s18] =	dma.local [hbm:s7], $0x500  }
0x81: {  	_ =	swait.ge [sflag:s8], $0x500  }
0x82: {  	s21 =	rddreg [dreg:$0x14]  }
0x83: {  	[sflag:s8] =	ssyncset.done $0x0;
	s16 =	sshrl.u32 s21, $0x3  }
0x84: {  	[sflag:s8] =	ssyncadd.s32 $0xFFFFFB00;
	[smem:$0x7F8] =	sst s16  }
0x85: {  	[spmem:s16], [sflag:s18] =	dma.local [hbm:s7], $0x500  }
0x86: {  	_ =	swait.ge [sflag:s8], $0x500  }
0x87: {  	s21 =	rddreg [dreg:$0x15]  }
0x88: {  	[sflag:s8] =	ssyncset.done $0x0;
	s16 =	sshrl.u32 s21, $0x3  }
0x89: {  	[sflag:s8] =	ssyncadd.s32 $0xFFFFFB00;
	[smem:$0x7F9] =	sst s16  }
0x8a: {  	[spmem:s16], [sflag:s18] =	dma.local [hbm:s7], $0x500  }
0x8b: {  	_ =	swait.ge [sflag:s8], $0x500  }
0x8c: {  	s21 =	rddreg [dreg:$0x16]  }
0x8d: {  	[sflag:s8] =	ssyncset.done $0x0;
	s16 =	sshrl.u32 s21, $0x3  }
0x8e: {  	[sflag:s8] =	ssyncadd.s32 $0xFFFFFB00;
	[smem:$0x7FA] =	sst s16  }
0x8f: {  	[spmem:s16], [sflag:s18] =	dma.local [hbm:s7], $0x500  }
0x90: {  	_ =	swait.ge [sflag:s8], $0x500  }
0x91: {  	s21 =	rddreg [dreg:$0x17]  }
0x92: {  	[sflag:s8] =	ssyncset.done $0x0;
	s16 =	sshrl.u32 s21, $0x3  }
0x93: {  	[sflag:s8] =	ssyncadd.s32 $0xFFFFFB00;
	[smem:$0x7FB] =	sst s16  }
0x94: {  	[spmem:s16], [sflag:s18] =	dma.local [hbm:s7], $0x500  }
0x95: {  	_ =	swait.ge [sflag:s8], $0x500  }
0x96: {  	s21 =	rddreg [dreg:$0x18]  }
0x97: {  	[sflag:s8] =	ssyncset.done $0x0;
	s16 =	sshrl.u32 s21, $0x3  }
0x98: {  	[sflag:s8] =	ssyncadd.s32 $0xFFFFFB00;
	[smem:$0x7FC] =	sst s16  }
0x99: {  	[spmem:s16], [sflag:s18] =	dma.local [hbm:s7], $0x500  }
0x9a: {  	_ =	swait.ge [sflag:s8], $0x500  }
0x9b: {  	s16 =	rddreg [dreg:$0x19]  }
0x9c: {  	[sflag:s8] =	ssyncset.done $0x0;
	s16 =	sshrl.u32 @!p0 s16, $0x3  }
0x9d: {  	[sflag:s8] =	ssyncadd.s32 $0xFFFFFB00;
	[smem:$0x7FD] =	sst s16  }
0x9e: {  	[spmem:s16], [sflag:s18] =	dma.local @!p0 [hbm:s7], $0x500  }
0x9f: {  	s7 =	simm.s32 @!p0 $0xB  }
0xa0: {  	_ =	swait.ge @!p0 [sflag:s7], $0x500  }
0xa1: {  	[sflag:s7] =	ssyncset.done @!p0 $0x0  }
0xa2: {  	s21 =	simm.s32 $0x13880;
	s18 =	rddreg [dreg:$0xc];
	[sflag:s7] =	ssyncadd.s32 @!p0 $0xFFFFFB00  }
0xa3: {  	[tilespmem:s21], [sflag:$0xB] =	stream.linear.gather [hbm4b:s18+s3], $0x100, $0x38;
	[tilespmem:$0x18C80] =	vst v63  }
0xa4: {  	_ =	swait.ge [sflag:s8], $0x100  }
0xa5: {  	[sflag:s8] =	ssyncset.done $0x0  }
0xa6: {  	[sflag:s8] =	ssyncadd.s32 $0xFFFFFF00  }
0xa7: {  	[bflag:$0x0] =	sbarrier.arrive $0xFFFF  }
0xa8: {  	s18 =	rddreg [dreg:$0xe]  }
0xa9: {  	[tilespmem:s9], [sflag:$0x1] =	stream.linear.gather [hbm4b:s18+s3], $0x50, $0x38;
	[tilespmem:$0x18C80] =	vst v63  }
0xaa: {  	s21 =	rddreg [dreg:$0x1b]  }
0xab: {  	[tilespmem:s10], [sflag:$0x2] =	stream.linear.gather [hbm4b:s21+s3], $0x50, $0x38;
	[tilespmem:$0x18C80] =	vst v63  }
0xac: {  	_ =	swait.ge [sflag:s11], $0x50  }
0xad: {  	[sflag:s11] =	ssyncset.done $0x0  }
0xae: {  	s16 =	rddreg [dreg:$0xf];
	[sflag:s11] =	ssyncadd.s32 $0xFFFFFFB0  }
0xaf: {  	[tilespmem:s14], [sflag:$0x3] =	stream.indirect.gather [hbm4b:s1+s12], $0x80, s9, s12, $0xb8;
	[tilespmem:$0x18C80] =	vst v63  }
0xb0: {  	s18 =	simm.s32 $0x18A80;
	s21 =	rddreg [dreg:$0x1c]  }
0xb1: {  	[tilespmem:s18], [sflag:$0x5] =	stream.linear.gather [hbm4b:s16+s3], $0x50, $0x38;
	[tilespmem:$0x18C80] =	vst v63  }
0xb2: {  	s7 =	rddreg [dreg:$0x1a];
	s16 =	simm.s32 $0x0  }
0xb3: {  	[tilespmem:s19], [sflag:$0x7] =	stream.linear.gather [hbm4b:s21+s3], $0x50, $0x38;
	[tilespmem:$0x18C80] =	vst v63  }
.LBB2_2:
0xb4: {  	_ =	swait.ge [sflag:s20], $0x2800  }
0xb5: {  	[sflag:s20] =	ssyncset.done $0x0  }
0xb6: {  	[sflag:s20] =	ssyncadd.s32 $0xFFFFD800  }
0xb7: {  	_ =	swait.ge [sflag:s22], $0x50  }
0xb8: {  	[sflag:s22] =	ssyncset.done $0x0  }
0xb9: {  	[sflag:s22] =	ssyncadd.s32 $0xFFFFFFB0  }
0xba: {  	_ =	swait.ge [sflag:s23], $0x50  }
0xbb: {  	[sflag:s23] =	ssyncset.done $0x0  }
0xbc: {  	[sflag:s23] =	ssyncadd.s32 $0xFFFFFFB0  }
0xbd: {  	_ =	swait.ge [sflag:s17], $0x50  }
0xbe: {  	p1 =	seq.s32 s16, $0x0;
	[sflag:s17] =	ssyncset.done $0x0  }
0xbf: {  	s21 =	simm.s32 @!p1 $0xA;
	[sflag:s17] =	ssyncadd.s32 $0xFFFFFFB0  }
0xc0: {  	_ =	swait.ge @!p1 [sflag:s21], $0x2800  }
0xc1: {  	[sflag:s21] =	ssyncset.done @!p1 $0x0  }
0xc2: {  	[sflag:s21] =	ssyncadd.s32 @!p1 $0xFFFFD800  }
0xc3: {  	[tilespmem:s24], [sflag:$0x4] =	stream.indirect.gather [hbm4b:s1+s12], $0x80, s10, s12, $0xb8;
	[tilespmem:$0x18C80] =	vst v63  }
0xc4: {  	s18 =	sadd.s32 s16, s4  }
0xc5: {  	[tilespmem:s25], [sflag:$0x6] =	stream.linear.gather [hbm4b:s18+s3], $0x50, $0x38;
	[tilespmem:$0x18C80] =	vst v63  }
0xc6: {  	s21 =	sshrl.u32 s7, $0x3;
	s18 =	sadd.s32 s16, s5  }
0xc7: {  	[tilespmem:s26], [sflag:$0x8] =	stream.linear.gather [hbm4b:s18+s3], $0x50, $0x38;
	[tilespmem:$0x18C80] =	vst v63  }
0xc8: {  	s18 =	sadd.s32 s15, s21  }
0xc9: {  	[tilespmem:s9], [sflag:$0x1] =	stream.linear.gather [hbm4b:s18+s3], $0x50, $0x38;
	[tilespmem:$0x18C80] =	vst v63  }
0xca: {  	_ = 	snop  }
0xcb: {  	[spmem:s2] =	stream.indirect.scatter.add.f32 [tilespmem:s14], [sflag:$0x9], $0x80, s19, s12, $0xb8;
	[tilespmem:$0x18C80] =	vst v63  }
0xcc: {  	_ =	swait.ge [sflag:s28], $0x2800  }
0xcd: {  	[sflag:s28] =	ssyncset.done $0x0  }
0xce: {  	[sflag:s28] =	ssyncadd.s32 $0xFFFFD800  }
0xcf: {  	_ =	swait.ge [sflag:s29], $0x50  }
0xd0: {  	[sflag:s29] =	ssyncset.done $0x0  }
0xd1: {  	[sflag:s29] =	ssyncadd.s32 $0xFFFFFFB0  }
0xd2: {  	_ =	swait.ge [sflag:s31], $0x50  }
0xd3: {  	[sflag:s31] =	ssyncset.done $0x0  }
0xd4: {  	[sflag:s31] =	ssyncadd.s32 $0xFFFFFFB0  }
0xd5: {  	_ =	swait.ge [sflag:s11], $0x50  }
0xd6: {  	[sflag:s11] =	ssyncset.done $0x0  }
0xd7: {  	[sflag:s11] =	ssyncadd.s32 $0xFFFFFFB0  }
0xd8: {  	_ =	swait.ge [sflag:s6], $0x2800  }
0xd9: {  	[sflag:s6] =	ssyncset.done $0x0  }
0xda: {  	p1 =	seq.s32 s16, $0x4C4;
	[sflag:s6] =	ssyncadd.s32 $0xFFFFD800  }
0xdb: {  	[tilespmem:s14], [sflag:$0x3] =	stream.indirect.gather [hbm4b:s1+s12], $0x80, s9, s12, $0xb8;
	[tilespmem:$0x18C80] =	vst v63  }
.Ltmp2:
0xdc: {  	_ = 	snop;
	(pc) =	sbr.rel @p1 .LBB2_4-.Ltmp2, $4  }
0xdd: {  	s18 =	sadd.s32 s13, s21;
	s21 =	simm.s32 $0x18A80  }
0xde: {  	[tilespmem:s21], [sflag:$0x5] =	stream.linear.gather [hbm4b:s18+s3], $0x50, $0x38;
	[tilespmem:$0x18C80] =	vst v63  }
0xdf: {  	s21 =	sadd.s32 s16, s30  }
0xe0: {  	[tilespmem:s19], [sflag:$0x7] =	stream.linear.gather [hbm4b:s21+s3], $0x50, $0x38;
	[tilespmem:$0x18C80] =	vst v63  }
.Ltmp3:
0xe1: {  	(pc) =	sbr.rel .LBB2_2-.Ltmp3, $4  }
0xe2: {  	s18 =	sadd.s32 s16, s0  }
0xe3: {  	[tilespmem:s10], [sflag:$0x2] =	stream.linear.gather [hbm4b:s18+s3], $0x50, $0x38;
	[tilespmem:$0x18C80] =	vst v63  }
0xe4: {  	s7 =	sadd.s32 $0xA0, s7;
	s16 =	sadd.s32 $0x14, s16  }
0xe5: {  	[spmem:s2] =	stream.indirect.scatter.add.f32 [tilespmem:s24], [sflag:$0xA], $0x80, s26, s12, $0xb8;
	[tilespmem:$0x18C80] =	vst v63  }
.LBB2_5:
0xe6: {  	_ =	sfence.sel $0x180000  }
0xe7: {  	[bflag:$0x0] =	sbarrier.arrive $0xFFFF  }
0xe8: {  	_ =	strace $0x90000047  }
0xe9: {  	s0 =	stileid.u32;
	[bflag:$0x2] =	sbarrier.arrive $0xFFFF  }
0xea: {  	p0 =	sne.s32 s0, $0x0;
	s0 =	rddreg [dreg:$0x3]  }
0xeb: {  	s0 =	sadd.s32 @!p0 $0x100000, s0  }
0xec: {  	[sflag:s0] =	ssyncadd.tile.s32 @!p0 $0x1;
	_ =	shalt  }
.Lfunc_end2:
_tile_overlayer_lowered:
.L_overlay_start_2:
0xed: {  	(tag) =	ssettag $0x2  }
0xee: {  	s0 =	rddreg [dreg:$0x0];
	s2 =	stileid.u32  }
0xef: {  	s1 =	rddreg [dreg:$0x1];
	p0 =	sne.s32 s2, $0x0  }
0xf0: {  	s3 =	rddreg [dreg:$0x2];
	[bflag:$0x3] =	sbarrier.arrive $0xFFFF;
	s2 =	simm.s32 @!p0 $0x1C0B  }
0xf1: {  	[timem:s3], [sflag:s2] =	dma.local @!p0 [hbm:s0], s1  }
0xf2: {  	s0 =	simm.s32 @!p0 $0xB  }
0xf3: {  	_ =	swait.ge @!p0 [sflag:s0], s1  }
0xf4: {  	s1 =	ssub.s32 @!p0 $0x0, s1;
	[sflag:s0] =	ssyncset.done @!p0 $0x0  }
0xf5: {  	[sflag:s0] =	ssyncadd.s32 @!p0 s1  }
0xf6: {  	[bflag:$0x3] =	sbarrier.arrive $0xFFFF  }
0xf7: {  	_ =	shalt  }

</sc_bundles>
